<compile_context>
chip_gen: v7x
topology: tpu7x:2x2x1
jax: 0.10.2.dev20260603
libtpu: 0.0.44.dev20260713+nightly
codegen_flags: <defaults>
</compile_context>

<pallas_src>
import functools

import jax
import jax.numpy as jnp
from jax import lax
from jax.experimental import pallas as pl
from jax.experimental.pallas import tpu as pltpu
from jax.experimental.pallas import tpu_sc as plsc

HIDDEN = 768
EXPERTS = 64
TOPK = 8
N_TOK = 4 * 8192

SLICES = 1
TOK_S = N_TOK // SLICES
N_ROW_S = TOK_S // 2

MM_BLOCK = 2048

N_WORKERS = 32
ROW_PER_W = N_ROW_S // N_WORKERS
CHUNK = 128
N_CHUNK = ROW_PER_W // CHUNK


def _matmul_kernel(hs_a_ref, hs_b_ref, w_ref, logits_ref):
    dn = (((1,), (1,)), ((), ()))
    l_a = jax.lax.dot_general(hs_a_ref[...], w_ref[...], dimension_numbers=dn,
                              preferred_element_type=jnp.float32)
    l_b = jax.lax.dot_general(hs_b_ref[...], w_ref[...], dimension_numbers=dn,
                              preferred_element_type=jnp.float32)
    logits_ref[...] = jnp.concatenate([l_a, l_b], axis=1)


def _sc_topk_body(logits_hbm, scores_hbm, idx_hbm,
                  lbuf, sbuf_a, sbuf_b, ibuf_a, ibuf_b):
    wid = lax.axis_index("s") * 2 + lax.axis_index("c")
    row_base = wid * ROW_PER_W

    lane = lax.iota(jnp.int32, 16)
    mask8 = lane < 8
    zeros16 = jnp.zeros((16,), jnp.float32)
    group_ids = [lane + 16 * g for g in range(4)]

    def merge(ka, va, kb, vb):
        mk = jnp.where(mask8, ka, jnp.flip(kb, 0))
        mv = jnp.where(mask8, va, jnp.flip(vb, 0))
        return plsc.sort_key_val(mk, mv, descending=True)

    def topk_one(loff):
        ks, vs = [], []
        for g in range(4):
            k, v = plsc.sort_key_val(
                lbuf[pl.ds(loff + g * 16, 16)], group_ids[g], descending=True)
            ks.append(k)
            vs.append(v)
        k01, v01 = merge(ks[0], vs[0], ks[1], vs[1])
        k23, v23 = merge(ks[2], vs[2], ks[3], vs[3])
        kf, vf = merge(k01, v01, k23, v23)
        m0 = jnp.max(kf)
        e = jnp.where(mask8, jnp.exp(kf - m0), 0.0)
        s = e / jnp.sum(e)
        return s, vf

    def row_body(r):
        rsplat = lane * 0 + r
        s_a, v_a = topk_one(r * 128)
        s_b, v_b = topk_one(r * 128 + 64)
        plsc.store_scatter(sbuf_a, [rsplat, v_a], s_a, mask=mask8)
        plsc.store_scatter(sbuf_b, [rsplat, v_b], s_b, mask=mask8)
        plsc.store_scatter(ibuf_a, [rsplat, lane], v_a, mask=mask8)
        plsc.store_scatter(ibuf_b, [rsplat, lane], v_b, mask=mask8)

    def zero_body(i):
        r = i // 4
        c = i % 4
        sbuf_a[r, pl.ds(c * 16, 16)] = zeros16
        sbuf_b[r, pl.ds(c * 16, 16)] = zeros16

    def chunk_body(ci, _):
        r0 = row_base + ci * CHUNK
        pltpu.sync_copy(logits_hbm.at[pl.ds(r0 * 128, CHUNK * 128)], lbuf)
        plsc.parallel_loop(0, CHUNK * 4, unroll=16)(zero_body)
        plsc.parallel_loop(0, CHUNK, unroll=8)(row_body)
        pltpu.sync_copy(sbuf_a, scores_hbm.at[pl.ds(r0, CHUNK)])
        pltpu.sync_copy(sbuf_b, scores_hbm.at[pl.ds(r0 + N_ROW_S, CHUNK)])
        pltpu.sync_copy(ibuf_a, idx_hbm.at[pl.ds(r0, CHUNK)])
        pltpu.sync_copy(ibuf_b, idx_hbm.at[pl.ds(r0 + N_ROW_S, CHUNK)])
        return 0

    lax.fori_loop(0, N_CHUNK, chunk_body, 0)


@functools.cache
def _sc_topk():
    return pl.kernel(
        _sc_topk_body,
        out_type=[
            jax.ShapeDtypeStruct((TOK_S, EXPERTS), jnp.float32),
            jax.ShapeDtypeStruct((TOK_S, TOPK), jnp.int32),
        ],
        mesh=plsc.VectorSubcoreMesh(core_axis_name="c", subcore_axis_name="s",
                                    num_cores=2, num_subcores=16),
        scratch_types=[
            pltpu.VMEM((CHUNK * 128,), jnp.float32),
            pltpu.VMEM((CHUNK, EXPERTS), jnp.float32),
            pltpu.VMEM((CHUNK, EXPERTS), jnp.float32),
            pltpu.VMEM((CHUNK, TOPK), jnp.int32),
            pltpu.VMEM((CHUNK, TOPK), jnp.int32),
        ],
        compiler_params=pltpu.CompilerParams(needs_layout_passes=False),
    )


@jax.jit
def kernel(hidden_states, weight):
    hs = hidden_states.reshape(-1, HIDDEN)
    blocks_per_half = N_ROW_S // MM_BLOCK
    scores_parts, idx_parts = [], []
    for s in range(SLICES):
        a0 = s * TOK_S // MM_BLOCK
        b0 = a0 + blocks_per_half
        logits = pl.pallas_call(
            _matmul_kernel,
            grid=(blocks_per_half,),
            in_specs=[
                pl.BlockSpec((MM_BLOCK, HIDDEN),
                             lambda i, a0=a0: (i + a0, 0)),
                pl.BlockSpec((MM_BLOCK, HIDDEN),
                             lambda i, b0=b0: (i + b0, 0)),
                pl.BlockSpec((EXPERTS, HIDDEN), lambda i: (0, 0)),
            ],
            out_specs=pl.BlockSpec((MM_BLOCK, 2 * EXPERTS), lambda i: (i, 0)),
            out_shape=jax.ShapeDtypeStruct((N_ROW_S, 2 * EXPERTS),
                                           jnp.float32),
        )(hs, hs, weight)
        sc, ix = _sc_topk()(logits.reshape(-1))
        scores_parts.append(sc)
        idx_parts.append(ix)
    if SLICES == 1:
        return scores_parts[0], idx_parts[0]
    return (jnp.concatenate(scores_parts, axis=0),
            jnp.concatenate(idx_parts, axis=0))

# --- scband reference (transcript-rebuilt; emitter-appended) ---
"""Pipeline reference for scband-qwen3-vlmoe-text-top-krouter-82360292868550 (READ-ONLY COPY).

The authoritative reference and input builder live on the scoring server;
editing this copy changes nothing except your own understanding.
"""

import jax, jax.numpy as jnp
import numpy as np

HIDDEN_DIM = 768
NUM_EXPERTS = 64
TOP_K = 8
NORM_TOPK_PROB = True


def setup_inputs(seed: int = 0) -> dict:
    key = jax.random.key(seed)
    k1, k2 = jax.random.split(key)
    hidden_states = jax.random.normal(k1, (4, 8192, HIDDEN_DIM), dtype=jnp.float32)
    weight = jax.random.normal(k2, (NUM_EXPERTS, HIDDEN_DIM), dtype=jnp.float32) * 0.02
    return {"hidden_states": hidden_states, "weight": weight}


def reference(hidden_states, weight):
    # hidden_states.reshape(-1, hidden_dim)
    hs = hidden_states.reshape(-1, HIDDEN_DIM)
    # F.linear(hidden_states, self.weight) -> hs @ weight.T
    router_logits = hs @ weight.T
    # softmax in float32 over experts
    router_probs = jax.nn.softmax(router_logits.astype(jnp.float32), axis=-1)
    # top-k over experts
    router_top_value, router_indices = jax.lax.top_k(router_probs, TOP_K)
    if NORM_TOPK_PROB:
        router_top_value = router_top_value / jnp.sum(router_top_value, axis=-1, keepdims=True)
    router_top_value = router_top_value.astype(router_probs.dtype)
    # scatter top-k values back into a dense [tokens, num_experts] score tensor
    n_tok = router_probs.shape[0]
    row_ids = jnp.arange(n_tok)[:, None]
    router_scores = jnp.zeros_like(router_probs).at[row_ids, router_indices].set(router_top_value)
    return router_scores, router_indices

if __name__ == "__main__":
    import jax
    _d = setup_inputs()
    print(jax.jit(kernel)(*tuple(_d.values())))

</pallas_src>

<mosaic_0001>
#map = affine_map<(d0, d1) -> (0)>
#map1 = affine_map<(d0, d1) -> (0, 0)>
module attributes {stable_mosaic.version = 14 : i64} {
  func.func @_sc_topk_body(%arg0: i32, %arg1: i32, %arg2: memref<2097152xf32, #tpu.memory_space<hbm>>, %arg3: memref<32768x64xf32, #tpu.memory_space<hbm>>, %arg4: memref<32768x8xi32, #tpu.memory_space<hbm>>, %arg5: memref<16384xf32, #tpu.memory_space<vmem>>, %arg6: memref<128x64xf32, #tpu.memory_space<vmem>>, %arg7: memref<128x64xf32, #tpu.memory_space<vmem>>, %arg8: memref<128x8xi32, #tpu.memory_space<vmem>>, %arg9: memref<128x8xi32, #tpu.memory_space<vmem>>) attributes {dimension_semantics = [#tpu.dimension_semantics<core_parallel>, #tpu.dimension_semantics<subcore_parallel>], iteration_bounds = array<i64: 2, 16>, scalar_prefetch = 0 : i64, scratch_operands = 5 : i64, tpu.core_type = #tpu.core_type<sc_vector_subcore>, window_params = [{transform_indices = #map}, {transform_indices = #map1}, {transform_indices = #map1}]} {
    %mul3A = arith.constant 2 : i32
    %mul3A_0 = arith.muli %arg1, %mul3A : i32
    %add3A = arith.addi %mul3A_0, %arg0 : i32
    %mul3A_1 = arith.constant 512 : i32
    %mul3A_2 = arith.muli %add3A, %mul3A_1 : i32
    %iota3A = tpu.iota {dimensions = array<i32: 0>} : vector<16xi32>
    %lt3A = arith.constant 8 : i32
    %lt3A_3 = vector.broadcast %lt3A : i32 to vector<16xi32>
    %lt3A_4 = arith.cmpi slt, %iota3A, %lt3A_3 : vector<16xi32>
    %broadcast_in_dim3A = arith.constant 0.000000e+00 : f32
    %broadcast_in_dim3A_5 = vector.broadcast %broadcast_in_dim3A : f32 to vector<16xf32>
    %add3A_6 = arith.constant 0 : i32
    %add3A_7 = vector.broadcast %add3A_6 : i32 to vector<16xi32>
    %add3A_8 = arith.addi %iota3A, %add3A_7 : vector<16xi32>
    %add3A_9 = arith.constant 16 : i32
    %add3A_10 = vector.broadcast %add3A_9 : i32 to vector<16xi32>
    %add3A_11 = arith.addi %iota3A, %add3A_10 : vector<16xi32>
    %add3A_12 = arith.constant 32 : i32
    %add3A_13 = vector.broadcast %add3A_12 : i32 to vector<16xi32>
    %add3A_14 = arith.addi %iota3A, %add3A_13 : vector<16xi32>
    %add3A_15 = arith.constant 48 : i32
    %add3A_16 = vector.broadcast %add3A_15 : i32 to vector<16xi32>
    %add3A_17 = arith.addi %iota3A, %add3A_16 : vector<16xi32>
    %scan3A = arith.constant 0 : i32
    %scan3A_18 = arith.constant 0 : i32
    %scan3A_19 = arith.constant 4 : i32
    %scan3A_20 = arith.addi %scan3A_18, %scan3A_19 : i32
    %scan3A_21 = arith.constant 1 : i32
    %scan3A_22 = scf.for %scan3A_24 = %scan3A_18 to %scan3A_20 step %scan3A_21 iter_args(%scan3A_25 = %scan3A) -> (i32)  : i32 {
      %mul3A_26 = arith.constant 128 : i32
      %mul3A_27 = arith.muli %scan3A_24, %mul3A_26 : i32
      %add3A_28 = arith.addi %mul3A_2, %mul3A_27 : i32
      %mul3A_29 = arith.constant 128 : i32
      %mul3A_30 = arith.muli %add3A_28, %mul3A_29 : i32
      "tpu.region"() ({
        %run_scoped3A = tpu.sem_alloc : memref<!tpu.dma_semaphore, #tpu.memory_space<semaphore_mem>>
        %dma_start3A = tpu.memref_slice %arg2[%mul3A_30] : memref<2097152xf32, #tpu.memory_space<hbm>> -> memref<16384xf32, #tpu.memory_space<hbm>>
        %dma_start3A_41 = tpu.memref_slice %arg2[%mul3A_30] : memref<2097152xf32, #tpu.memory_space<hbm>> -> memref<16384xf32, #tpu.memory_space<hbm>>
        tpu.enqueue_dma source(%dma_start3A_41 : memref<16384xf32, #tpu.memory_space<hbm>>) target(%arg5 : memref<16384xf32, #tpu.memory_space<vmem>>) target_semaphore(%run_scoped3A : memref<!tpu.dma_semaphore, #tpu.memory_space<semaphore_mem>>)
        %dma_wait3A = tpu.memref_slice %arg2[%mul3A_30] : memref<2097152xf32, #tpu.memory_space<hbm>> -> memref<16384xf32, #tpu.memory_space<hbm>>
        %dma_wait3A_42 = tpu.memref_slice %arg2[%mul3A_30] : memref<2097152xf32, #tpu.memory_space<hbm>> -> memref<16384xf32, #tpu.memory_space<hbm>>
        tpu.wait_dma2 semaphore(%run_scoped3A : memref<!tpu.dma_semaphore, #tpu.memory_space<semaphore_mem>>) src(%dma_wait3A_42 : memref<16384xf32, #tpu.memory_space<hbm>>) dst(%arg5 : memref<16384xf32, #tpu.memory_space<vmem>>)
        tpu.yield
      }) : () -> ()
      %parallel_loop3A = arith.constant 0 : i32
      %parallel_loop3A_31 = arith.constant 512 : i32
      %parallel_loop3A_32 = arith.constant 1 : i32
      scf.for %parallel_loop3A_41 = %parallel_loop3A to %parallel_loop3A_31 step %parallel_loop3A_32  : i32 {
        %parallel_loop3A_42 = arith.constant 4 : i32
        %parallel_loop3A_43 = arith.divsi %parallel_loop3A_41, %parallel_loop3A_42 : i32
        %parallel_loop3A_44 = arith.constant 0 : i32
        %parallel_loop3A_45 = arith.cmpi sgt, %parallel_loop3A_41, %parallel_loop3A_44 : i32
        %parallel_loop3A_46 = arith.extui %parallel_loop3A_45 : i1 to i32
        %parallel_loop3A_47 = arith.constant 0 : i32
        %parallel_loop3A_48 = arith.cmpi slt, %parallel_loop3A_41, %parallel_loop3A_47 : i32
        %parallel_loop3A_49 = arith.extui %parallel_loop3A_48 : i1 to i32
        %parallel_loop3A_50 = arith.subi %parallel_loop3A_46, %parallel_loop3A_49 : i32
        %parallel_loop3A_51 = arith.constant 0 : i32
        %parallel_loop3A_52 = arith.cmpi sgt, %parallel_loop3A_42, %parallel_loop3A_51 : i32
        %parallel_loop3A_53 = arith.extui %parallel_loop3A_52 : i1 to i32
        %parallel_loop3A_54 = arith.constant 0 : i32
        %parallel_loop3A_55 = arith.cmpi slt, %parallel_loop3A_42, %parallel_loop3A_54 : i32
        %parallel_loop3A_56 = arith.extui %parallel_loop3A_55 : i1 to i32
        %parallel_loop3A_57 = arith.subi %parallel_loop3A_53, %parallel_loop3A_56 : i32
        %parallel_loop3A_58 = arith.cmpi ne, %parallel_loop3A_50, %parallel_loop3A_57 : i32
        %parallel_loop3A_59 = arith.remsi %parallel_loop3A_41, %parallel_loop3A_42 : i32
        %parallel_loop3A_60 = arith.constant 0 : i32
        %parallel_loop3A_61 = arith.cmpi ne, %parallel_loop3A_59, %parallel_loop3A_60 : i32
        %parallel_loop3A_62 = arith.andi %parallel_loop3A_58, %parallel_loop3A_61 : i1
        %parallel_loop3A_63 = arith.constant 1 : i32
        %parallel_loop3A_64 = arith.subi %parallel_loop3A_43, %parallel_loop3A_63 : i32
        %parallel_loop3A_65 = arith.select %parallel_loop3A_62, %parallel_loop3A_64, %parallel_loop3A_43 : i32
        %parallel_loop3A_66 = arith.constant 4 : i32
        %parallel_loop3A_67 = arith.constant 0 : i32
        %parallel_loop3A_68 = arith.cmpi eq, %parallel_loop3A_66, %parallel_loop3A_67 : i32
        %parallel_loop3A_69 = arith.constant 1 : i32
        %parallel_loop3A_70 = arith.select %parallel_loop3A_68, %parallel_loop3A_69, %parallel_loop3A_66 : i32
        %parallel_loop3A_71 = arith.remsi %parallel_loop3A_41, %parallel_loop3A_70 : i32
        %parallel_loop3A_72 = arith.constant 0 : i32
        %parallel_loop3A_73 = arith.cmpi ne, %parallel_loop3A_71, %parallel_loop3A_72 : i32
        %parallel_loop3A_74 = arith.constant 0 : i32
        %parallel_loop3A_75 = arith.cmpi slt, %parallel_loop3A_71, %parallel_loop3A_74 : i32
        %parallel_loop3A_76 = arith.constant 0 : i32
        %parallel_loop3A_77 = arith.cmpi slt, %parallel_loop3A_70, %parallel_loop3A_76 : i32
        %parallel_loop3A_78 = arith.xori %parallel_loop3A_75, %parallel_loop3A_77 : i1
        %parallel_loop3A_79 = arith.andi %parallel_loop3A_78, %parallel_loop3A_73 : i1
        %parallel_loop3A_80 = arith.addi %parallel_loop3A_71, %parallel_loop3A_70 : i32
        %parallel_loop3A_81 = arith.select %parallel_loop3A_79, %parallel_loop3A_80, %parallel_loop3A_71 : i32
        %parallel_loop3A_82 = arith.constant 16 : i32
        %parallel_loop3A_83 = arith.muli %parallel_loop3A_81, %parallel_loop3A_82 : i32
        %parallel_loop3A_84 = arith.index_cast %parallel_loop3A_65 : i32 to index
        %parallel_loop3A_85 = arith.index_cast %parallel_loop3A_83 : i32 to index
        %parallel_loop3A_86 = tpu.vector_load %arg6[%parallel_loop3A_84, %parallel_loop3A_85] {strides = array<i32>} : memref<128x64xf32, #tpu.memory_space<vmem>>, vector<16xf32>,
        tpu.vector_store %arg6[%parallel_loop3A_84, %parallel_loop3A_85], %broadcast_in_dim3A_5 {strides = array<i32>} : memref<128x64xf32, #tpu.memory_space<vmem>>, vector<16xf32>,
        %parallel_loop3A_87 = arith.constant 16 : i32
        %parallel_loop3A_88 = arith.muli %parallel_loop3A_81, %parallel_loop3A_87 : i32
        %parallel_loop3A_89 = arith.index_cast %parallel_loop3A_65 : i32 to index
        %parallel_loop3A_90 = arith.index_cast %parallel_loop3A_88 : i32 to index
        %parallel_loop3A_91 = tpu.vector_load %arg7[%parallel_loop3A_89, %parallel_loop3A_90] {strides = array<i32>} : memref<128x64xf32, #tpu.memory_space<vmem>>, vector<16xf32>,
        tpu.vector_store %arg7[%parallel_loop3A_89, %parallel_loop3A_90], %broadcast_in_dim3A_5 {strides = array<i32>} : memref<128x64xf32, #tpu.memory_space<vmem>>, vector<16xf32>,
      } {sc.loop_unroll_factor = 16 : i64, sc.parallel_access}
      %parallel_loop3A_33 = arith.constant 0 : i32
      %parallel_loop3A_34 = arith.constant 128 : i32
      %parallel_loop3A_35 = arith.constant 1 : i32
      scf.for %parallel_loop3A_41 = %parallel_loop3A_33 to %parallel_loop3A_34 step %parallel_loop3A_35  : i32 {
        %parallel_loop3A_42 = arith.constant 0 : i32
        %parallel_loop3A_43 = vector.broadcast %parallel_loop3A_42 : i32 to vector<16xi32>
        %parallel_loop3A_44 = arith.muli %iota3A, %parallel_loop3A_43 : vector<16xi32>
        %parallel_loop3A_45 = vector.broadcast %parallel_loop3A_41 : i32 to vector<16xi32>
        %parallel_loop3A_46 = arith.addi %parallel_loop3A_44, %parallel_loop3A_45 : vector<16xi32>
        %parallel_loop3A_47 = arith.constant 128 : i32
        %parallel_loop3A_48 = arith.muli %parallel_loop3A_41, %parallel_loop3A_47 : i32
        %parallel_loop3A_49 = arith.constant 0 : i32
        %parallel_loop3A_50 = arith.addi %parallel_loop3A_48, %parallel_loop3A_49 : i32
        %parallel_loop3A_51 = arith.index_cast %parallel_loop3A_50 : i32 to index
        %parallel_loop3A_52 = tpu.vector_load %arg5[%parallel_loop3A_51] {strides = array<i32>} : memref<16384xf32, #tpu.memory_space<vmem>>, vector<16xf32>,
        %parallel_loop3A_53 = arith.constant dense<true> : vector<16xi1>
        %parallel_loop3A_54, %parallel_loop3A_55, %parallel_loop3A_56 = tpu.sort %parallel_loop3A_52, %add3A_8 masked %parallel_loop3A_53 {descending = true} : (vector<16xf32>, vector<16xi32>, vector<16xi1>) -> (vector<16xi1>, vector<16xf32>, vector<16xi32>)
        %parallel_loop3A_57 = arith.constant 16 : i32
        %parallel_loop3A_58 = arith.addi %parallel_loop3A_48, %parallel_loop3A_57 : i32
        %parallel_loop3A_59 = arith.index_cast %parallel_loop3A_58 : i32 to index
        %parallel_loop3A_60 = tpu.vector_load %arg5[%parallel_loop3A_59] {strides = array<i32>} : memref<16384xf32, #tpu.memory_space<vmem>>, vector<16xf32>,
        %parallel_loop3A_61 = arith.constant dense<true> : vector<16xi1>
        %parallel_loop3A_62, %parallel_loop3A_63, %parallel_loop3A_64 = tpu.sort %parallel_loop3A_60, %add3A_11 masked %parallel_loop3A_61 {descending = true} : (vector<16xf32>, vector<16xi32>, vector<16xi1>) -> (vector<16xi1>, vector<16xf32>, vector<16xi32>)
        %parallel_loop3A_65 = arith.constant 32 : i32
        %parallel_loop3A_66 = arith.addi %parallel_loop3A_48, %parallel_loop3A_65 : i32
        %parallel_loop3A_67 = arith.index_cast %parallel_loop3A_66 : i32 to index
        %parallel_loop3A_68 = tpu.vector_load %arg5[%parallel_loop3A_67] {strides = array<i32>} : memref<16384xf32, #tpu.memory_space<vmem>>, vector<16xf32>,
        %parallel_loop3A_69 = arith.constant dense<true> : vector<16xi1>
        %parallel_loop3A_70, %parallel_loop3A_71, %parallel_loop3A_72 = tpu.sort %parallel_loop3A_68, %add3A_14 masked %parallel_loop3A_69 {descending = true} : (vector<16xf32>, vector<16xi32>, vector<16xi1>) -> (vector<16xi1>, vector<16xf32>, vector<16xi32>)
        %parallel_loop3A_73 = arith.constant 48 : i32
        %parallel_loop3A_74 = arith.addi %parallel_loop3A_48, %parallel_loop3A_73 : i32
        %parallel_loop3A_75 = arith.index_cast %parallel_loop3A_74 : i32 to index
        %parallel_loop3A_76 = tpu.vector_load %arg5[%parallel_loop3A_75] {strides = array<i32>} : memref<16384xf32, #tpu.memory_space<vmem>>, vector<16xf32>,
        %parallel_loop3A_77 = arith.constant dense<true> : vector<16xi1>
        %parallel_loop3A_78, %parallel_loop3A_79, %parallel_loop3A_80 = tpu.sort %parallel_loop3A_76, %add3A_17 masked %parallel_loop3A_77 {descending = true} : (vector<16xf32>, vector<16xi32>, vector<16xi1>) -> (vector<16xi1>, vector<16xf32>, vector<16xi32>)
        %parallel_loop3A_81 = arith.constant 15 : i32
        %parallel_loop3A_82 = vector.broadcast %parallel_loop3A_81 : i32 to vector<16xi32>
        %parallel_loop3A_83 = tpu.iota {dimensions = array<i32: 0>} : vector<16xi32>
        %parallel_loop3A_84 = arith.subi %parallel_loop3A_82, %parallel_loop3A_83 : vector<16xi32>
        %parallel_loop3A_85 = tpu.dynamic_gather %parallel_loop3A_63[%parallel_loop3A_84] in [0] : vector<16xf32>, vector<16xi32> -> vector<16xf32>
        %parallel_loop3A_86 = arith.select %lt3A_4, %parallel_loop3A_55, %parallel_loop3A_85 : vector<16xi1>, vector<16xf32>
        %parallel_loop3A_87 = arith.constant 15 : i32
        %parallel_loop3A_88 = vector.broadcast %parallel_loop3A_87 : i32 to vector<16xi32>
        %parallel_loop3A_89 = tpu.iota {dimensions = array<i32: 0>} : vector<16xi32>
        %parallel_loop3A_90 = arith.subi %parallel_loop3A_88, %parallel_loop3A_89 : vector<16xi32>
        %parallel_loop3A_91 = tpu.dynamic_gather %parallel_loop3A_64[%parallel_loop3A_90] in [0] : vector<16xi32>, vector<16xi32> -> vector<16xi32>
        %parallel_loop3A_92 = arith.select %lt3A_4, %parallel_loop3A_56, %parallel_loop3A_91 : vector<16xi1>, vector<16xi32>
        %parallel_loop3A_93 = arith.constant dense<true> : vector<16xi1>
        %parallel_loop3A_94, %parallel_loop3A_95, %parallel_loop3A_96 = tpu.sort %parallel_loop3A_86, %parallel_loop3A_92 masked %parallel_loop3A_93 {descending = true} : (vector<16xf32>, vector<16xi32>, vector<16xi1>) -> (vector<16xi1>, vector<16xf32>, vector<16xi32>)
        %parallel_loop3A_97 = arith.constant 15 : i32
        %parallel_loop3A_98 = vector.broadcast %parallel_loop3A_97 : i32 to vector<16xi32>
        %parallel_loop3A_99 = tpu.iota {dimensions = array<i32: 0>} : vector<16xi32>
        %parallel_loop3A_100 = arith.subi %parallel_loop3A_98, %parallel_loop3A_99 : vector<16xi32>
        %parallel_loop3A_101 = tpu.dynamic_gather %parallel_loop3A_79[%parallel_loop3A_100] in [0] : vector<16xf32>, vector<16xi32> -> vector<16xf32>
        %parallel_loop3A_102 = arith.select %lt3A_4, %parallel_loop3A_71, %parallel_loop3A_101 : vector<16xi1>, vector<16xf32>
        %parallel_loop3A_103 = arith.constant 15 : i32
        %parallel_loop3A_104 = vector.broadcast %parallel_loop3A_103 : i32 to vector<16xi32>
        %parallel_loop3A_105 = tpu.iota {dimensions = array<i32: 0>} : vector<16xi32>
        %parallel_loop3A_106 = arith.subi %parallel_loop3A_104, %parallel_loop3A_105 : vector<16xi32>
        %parallel_loop3A_107 = tpu.dynamic_gather %parallel_loop3A_80[%parallel_loop3A_106] in [0] : vector<16xi32>, vector<16xi32> -> vector<16xi32>
        %parallel_loop3A_108 = arith.select %lt3A_4, %parallel_loop3A_72, %parallel_loop3A_107 : vector<16xi1>, vector<16xi32>
        %parallel_loop3A_109 = arith.constant dense<true> : vector<16xi1>
        %parallel_loop3A_110, %parallel_loop3A_111, %parallel_loop3A_112 = tpu.sort %parallel_loop3A_102, %parallel_loop3A_108 masked %parallel_loop3A_109 {descending = true} : (vector<16xf32>, vector<16xi32>, vector<16xi1>) -> (vector<16xi1>, vector<16xf32>, vector<16xi32>)
        %parallel_loop3A_113 = arith.constant 15 : i32
        %parallel_loop3A_114 = vector.broadcast %parallel_loop3A_113 : i32 to vector<16xi32>
        %parallel_loop3A_115 = tpu.iota {dimensions = array<i32: 0>} : vector<16xi32>
        %parallel_loop3A_116 = arith.subi %parallel_loop3A_114, %parallel_loop3A_115 : vector<16xi32>
        %parallel_loop3A_117 = tpu.dynamic_gather %parallel_loop3A_111[%parallel_loop3A_116] in [0] : vector<16xf32>, vector<16xi32> -> vector<16xf32>
        %parallel_loop3A_118 = arith.select %lt3A_4, %parallel_loop3A_95, %parallel_loop3A_117 : vector<16xi1>, vector<16xf32>
        %parallel_loop3A_119 = arith.constant 15 : i32
        %parallel_loop3A_120 = vector.broadcast %parallel_loop3A_119 : i32 to vector<16xi32>
        %parallel_loop3A_121 = tpu.iota {dimensions = array<i32: 0>} : vector<16xi32>
        %parallel_loop3A_122 = arith.subi %parallel_loop3A_120, %parallel_loop3A_121 : vector<16xi32>
        %parallel_loop3A_123 = tpu.dynamic_gather %parallel_loop3A_112[%parallel_loop3A_122] in [0] : vector<16xi32>, vector<16xi32> -> vector<16xi32>
        %parallel_loop3A_124 = arith.select %lt3A_4, %parallel_loop3A_96, %parallel_loop3A_123 : vector<16xi1>, vector<16xi32>
        %parallel_loop3A_125 = arith.constant dense<true> : vector<16xi1>
        %parallel_loop3A_126, %parallel_loop3A_127, %parallel_loop3A_128 = tpu.sort %parallel_loop3A_118, %parallel_loop3A_124 masked %parallel_loop3A_125 {descending = true} : (vector<16xf32>, vector<16xi32>, vector<16xi1>) -> (vector<16xi1>, vector<16xf32>, vector<16xi32>)
        %parallel_loop3A_129 = arith.constant true
        %parallel_loop3A_130 = vector.broadcast %parallel_loop3A_129 : i1 to vector<16xi1>
        %parallel_loop3A_131 = tpu.scan <max>, %parallel_loop3A_127 masked %parallel_loop3A_130 : vector<16xf32>, vector<16xi1> -> vector<16xf32>
        %parallel_loop3A_132 = vector.extract %parallel_loop3A_131[15] : f32 from vector<16xf32>
        %parallel_loop3A_133 = vector.broadcast %parallel_loop3A_132 : f32 to vector<16xf32>
        %parallel_loop3A_134 = arith.subf %parallel_loop3A_127, %parallel_loop3A_133 : vector<16xf32>
        %parallel_loop3A_135 = math.exp %parallel_loop3A_134 : vector<16xf32>
        %parallel_loop3A_136 = arith.constant 0.000000e+00 : f32
        %parallel_loop3A_137 = vector.broadcast %parallel_loop3A_136 : f32 to vector<16xf32>
        %parallel_loop3A_138 = arith.select %lt3A_4, %parallel_loop3A_135, %parallel_loop3A_137 : vector<16xi1>, vector<16xf32>
        %parallel_loop3A_139 = arith.constant true
        %parallel_loop3A_140 = vector.broadcast %parallel_loop3A_139 : i1 to vector<16xi1>
        %parallel_loop3A_141 = tpu.scan <sum>, %parallel_loop3A_138 masked %parallel_loop3A_140 : vector<16xf32>, vector<16xi1> -> vector<16xf32>
        %parallel_loop3A_142 = vector.extract %parallel_loop3A_141[15] : f32 from vector<16xf32>
        %parallel_loop3A_143 = vector.broadcast %parallel_loop3A_142 : f32 to vector<16xf32>
        %parallel_loop3A_144 = arith.divf %parallel_loop3A_138, %parallel_loop3A_143 : vector<16xf32>
        %parallel_loop3A_145 = arith.constant 128 : i32
        %parallel_loop3A_146 = arith.muli %parallel_loop3A_41, %parallel_loop3A_145 : i32
        %parallel_loop3A_147 = arith.constant 64 : i32
        %parallel_loop3A_148 = arith.addi %parallel_loop3A_146, %parallel_loop3A_147 : i32
        %parallel_loop3A_149 = arith.constant 0 : i32
        %parallel_loop3A_150 = arith.addi %parallel_loop3A_148, %parallel_loop3A_149 : i32
        %parallel_loop3A_151 = arith.index_cast %parallel_loop3A_150 : i32 to index
        %parallel_loop3A_152 = tpu.vector_load %arg5[%parallel_loop3A_151] {strides = array<i32>} : memref<16384xf32, #tpu.memory_space<vmem>>, vector<16xf32>,
        %parallel_loop3A_153 = arith.constant dense<true> : vector<16xi1>
        %parallel_loop3A_154, %parallel_loop3A_155, %parallel_loop3A_156 = tpu.sort %parallel_loop3A_152, %add3A_8 masked %parallel_loop3A_153 {descending = true} : (vector<16xf32>, vector<16xi32>, vector<16xi1>) -> (vector<16xi1>, vector<16xf32>, vector<16xi32>)
        %parallel_loop3A_157 = arith.constant 16 : i32
        %parallel_loop3A_158 = arith.addi %parallel_loop3A_148, %parallel_loop3A_157 : i32
        %parallel_loop3A_159 = arith.index_cast %parallel_loop3A_158 : i32 to index
        %parallel_loop3A_160 = tpu.vector_load %arg5[%parallel_loop3A_159] {strides = array<i32>} : memref<16384xf32, #tpu.memory_space<vmem>>, vector<16xf32>,
        %parallel_loop3A_161 = arith.constant dense<true> : vector<16xi1>
        %parallel_loop3A_162, %parallel_loop3A_163, %parallel_loop3A_164 = tpu.sort %parallel_loop3A_160, %add3A_11 masked %parallel_loop3A_161 {descending = true} : (vector<16xf32>, vector<16xi32>, vector<16xi1>) -> (vector<16xi1>, vector<16xf32>, vector<16xi32>)
        %parallel_loop3A_165 = arith.constant 32 : i32
        %parallel_loop3A_166 = arith.addi %parallel_loop3A_148, %parallel_loop3A_165 : i32
        %parallel_loop3A_167 = arith.index_cast %parallel_loop3A_166 : i32 to index
        %parallel_loop3A_168 = tpu.vector_load %arg5[%parallel_loop3A_167] {strides = array<i32>} : memref<16384xf32, #tpu.memory_space<vmem>>, vector<16xf32>,
        %parallel_loop3A_169 = arith.constant dense<true> : vector<16xi1>
        %parallel_loop3A_170, %parallel_loop3A_171, %parallel_loop3A_172 = tpu.sort %parallel_loop3A_168, %add3A_14 masked %parallel_loop3A_169 {descending = true} : (vector<16xf32>, vector<16xi32>, vector<16xi1>) -> (vector<16xi1>, vector<16xf32>, vector<16xi32>)
        %parallel_loop3A_173 = arith.constant 48 : i32
        %parallel_loop3A_174 = arith.addi %parallel_loop3A_148, %parallel_loop3A_173 : i32
        %parallel_loop3A_175 = arith.index_cast %parallel_loop3A_174 : i32 to index
        %parallel_loop3A_176 = tpu.vector_load %arg5[%parallel_loop3A_175] {strides = array<i32>} : memref<16384xf32, #tpu.memory_space<vmem>>, vector<16xf32>,
        %parallel_loop3A_177 = arith.constant dense<true> : vector<16xi1>
        %parallel_loop3A_178, %parallel_loop3A_179, %parallel_loop3A_180 = tpu.sort %parallel_loop3A_176, %add3A_17 masked %parallel_loop3A_177 {descending = true} : (vector<16xf32>, vector<16xi32>, vector<16xi1>) -> (vector<16xi1>, vector<16xf32>, vector<16xi32>)
        %parallel_loop3A_181 = arith.constant 15 : i32
        %parallel_loop3A_182 = vector.broadcast %parallel_loop3A_181 : i32 to vector<16xi32>
        %parallel_loop3A_183 = tpu.iota {dimensions = array<i32: 0>} : vector<16xi32>
        %parallel_loop3A_184 = arith.subi %parallel_loop3A_182, %parallel_loop3A_183 : vector<16xi32>
        %parallel_loop3A_185 = tpu.dynamic_gather %parallel_loop3A_163[%parallel_loop3A_184] in [0] : vector<16xf32>, vector<16xi32> -> vector<16xf32>
        %parallel_loop3A_186 = arith.select %lt3A_4, %parallel_loop3A_155, %parallel_loop3A_185 : vector<16xi1>, vector<16xf32>
        %parallel_loop3A_187 = arith.constant 15 : i32
        %parallel_loop3A_188 = vector.broadcast %parallel_loop3A_187 : i32 to vector<16xi32>
        %parallel_loop3A_189 = tpu.iota {dimensions = array<i32: 0>} : vector<16xi32>
        %parallel_loop3A_190 = arith.subi %parallel_loop3A_188, %parallel_loop3A_189 : vector<16xi32>
        %parallel_loop3A_191 = tpu.dynamic_gather %parallel_loop3A_164[%parallel_loop3A_190] in [0] : vector<16xi32>, vector<16xi32> -> vector<16xi32>
        %parallel_loop3A_192 = arith.select %lt3A_4, %parallel_loop3A_156, %parallel_loop3A_191 : vector<16xi1>, vector<16xi32>
        %parallel_loop3A_193 = arith.constant dense<true> : vector<16xi1>
        %parallel_loop3A_194, %parallel_loop3A_195, %parallel_loop3A_196 = tpu.sort %parallel_loop3A_186, %parallel_loop3A_192 masked %parallel_loop3A_193 {descending = true} : (vector<16xf32>, vector<16xi32>, vector<16xi1>) -> (vector<16xi1>, vector<16xf32>, vector<16xi32>)
        %parallel_loop3A_197 = arith.constant 15 : i32
        %parallel_loop3A_198 = vector.broadcast %parallel_loop3A_197 : i32 to vector<16xi32>
        %parallel_loop3A_199 = tpu.iota {dimensions = array<i32: 0>} : vector<16xi32>
        %parallel_loop3A_200 = arith.subi %parallel_loop3A_198, %parallel_loop3A_199 : vector<16xi32>
        %parallel_loop3A_201 = tpu.dynamic_gather %parallel_loop3A_179[%parallel_loop3A_200] in [0] : vector<16xf32>, vector<16xi32> -> vector<16xf32>
        %parallel_loop3A_202 = arith.select %lt3A_4, %parallel_loop3A_171, %parallel_loop3A_201 : vector<16xi1>, vector<16xf32>
        %parallel_loop3A_203 = arith.constant 15 : i32
        %parallel_loop3A_204 = vector.broadcast %parallel_loop3A_203 : i32 to vector<16xi32>
        %parallel_loop3A_205 = tpu.iota {dimensions = array<i32: 0>} : vector<16xi32>
        %parallel_loop3A_206 = arith.subi %parallel_loop3A_204, %parallel_loop3A_205 : vector<16xi32>
        %parallel_loop3A_207 = tpu.dynamic_gather %parallel_loop3A_180[%parallel_loop3A_206] in [0] : vector<16xi32>, vector<16xi32> -> vector<16xi32>
        %parallel_loop3A_208 = arith.select %lt3A_4, %parallel_loop3A_172, %parallel_loop3A_207 : vector<16xi1>, vector<16xi32>
        %parallel_loop3A_209 = arith.constant dense<true> : vector<16xi1>
        %parallel_loop3A_210, %parallel_loop3A_211, %parallel_loop3A_212 = tpu.sort %parallel_loop3A_202, %parallel_loop3A_208 masked %parallel_loop3A_209 {descending = true} : (vector<16xf32>, vector<16xi32>, vector<16xi1>) -> (vector<16xi1>, vector<16xf32>, vector<16xi32>)
        %parallel_loop3A_213 = arith.constant 15 : i32
        %parallel_loop3A_214 = vector.broadcast %parallel_loop3A_213 : i32 to vector<16xi32>
        %parallel_loop3A_215 = tpu.iota {dimensions = array<i32: 0>} : vector<16xi32>
        %parallel_loop3A_216 = arith.subi %parallel_loop3A_214, %parallel_loop3A_215 : vector<16xi32>
        %parallel_loop3A_217 = tpu.dynamic_gather %parallel_loop3A_211[%parallel_loop3A_216] in [0] : vector<16xf32>, vector<16xi32> -> vector<16xf32>
        %parallel_loop3A_218 = arith.select %lt3A_4, %parallel_loop3A_195, %parallel_loop3A_217 : vector<16xi1>, vector<16xf32>
        %parallel_loop3A_219 = arith.constant 15 : i32
        %parallel_loop3A_220 = vector.broadcast %parallel_loop3A_219 : i32 to vector<16xi32>
        %parallel_loop3A_221 = tpu.iota {dimensions = array<i32: 0>} : vector<16xi32>
        %parallel_loop3A_222 = arith.subi %parallel_loop3A_220, %parallel_loop3A_221 : vector<16xi32>
        %parallel_loop3A_223 = tpu.dynamic_gather %parallel_loop3A_212[%parallel_loop3A_222] in [0] : vector<16xi32>, vector<16xi32> -> vector<16xi32>
        %parallel_loop3A_224 = arith.select %lt3A_4, %parallel_loop3A_196, %parallel_loop3A_223 : vector<16xi1>, vector<16xi32>
        %parallel_loop3A_225 = arith.constant dense<true> : vector<16xi1>
        %parallel_loop3A_226, %parallel_loop3A_227, %parallel_loop3A_228 = tpu.sort %parallel_loop3A_218, %parallel_loop3A_224 masked %parallel_loop3A_225 {descending = true} : (vector<16xf32>, vector<16xi32>, vector<16xi1>) -> (vector<16xi1>, vector<16xf32>, vector<16xi32>)
        %parallel_loop3A_229 = arith.constant true
        %parallel_loop3A_230 = vector.broadcast %parallel_loop3A_229 : i1 to vector<16xi1>
        %parallel_loop3A_231 = tpu.scan <max>, %parallel_loop3A_227 masked %parallel_loop3A_230 : vector<16xf32>, vector<16xi1> -> vector<16xf32>
        %parallel_loop3A_232 = vector.extract %parallel_loop3A_231[15] : f32 from vector<16xf32>
        %parallel_loop3A_233 = vector.broadcast %parallel_loop3A_232 : f32 to vector<16xf32>
        %parallel_loop3A_234 = arith.subf %parallel_loop3A_227, %parallel_loop3A_233 : vector<16xf32>
        %parallel_loop3A_235 = math.exp %parallel_loop3A_234 : vector<16xf32>
        %parallel_loop3A_236 = arith.constant 0.000000e+00 : f32
        %parallel_loop3A_237 = vector.broadcast %parallel_loop3A_236 : f32 to vector<16xf32>
        %parallel_loop3A_238 = arith.select %lt3A_4, %parallel_loop3A_235, %parallel_loop3A_237 : vector<16xi1>, vector<16xf32>
        %parallel_loop3A_239 = arith.constant true
        %parallel_loop3A_240 = vector.broadcast %parallel_loop3A_239 : i1 to vector<16xi1>
        %parallel_loop3A_241 = tpu.scan <sum>, %parallel_loop3A_238 masked %parallel_loop3A_240 : vector<16xf32>, vector<16xi1> -> vector<16xf32>
        %parallel_loop3A_242 = vector.extract %parallel_loop3A_241[15] : f32 from vector<16xf32>
        %parallel_loop3A_243 = vector.broadcast %parallel_loop3A_242 : f32 to vector<16xf32>
        %parallel_loop3A_244 = arith.divf %parallel_loop3A_238, %parallel_loop3A_243 : vector<16xf32>
        tpu.vector_store_idx %arg6[%parallel_loop3A_46, %parallel_loop3A_128], %parallel_loop3A_144 masked %lt3A_4 : memref<128x64xf32, #tpu.memory_space<vmem>>[vector<16xi32>, vector<16xi32>], vector<16xf32>, vector<16xi1>
        tpu.vector_store_idx %arg7[%parallel_loop3A_46, %parallel_loop3A_228], %parallel_loop3A_244 masked %lt3A_4 : memref<128x64xf32, #tpu.memory_space<vmem>>[vector<16xi32>, vector<16xi32>], vector<16xf32>, vector<16xi1>
        tpu.vector_store_idx %arg8[%parallel_loop3A_46, %iota3A], %parallel_loop3A_128 masked %lt3A_4 : memref<128x8xi32, #tpu.memory_space<vmem>>[vector<16xi32>, vector<16xi32>], vector<16xi32>, vector<16xi1>
        tpu.vector_store_idx %arg9[%parallel_loop3A_46, %iota3A], %parallel_loop3A_228 masked %lt3A_4 : memref<128x8xi32, #tpu.memory_space<vmem>>[vector<16xi32>, vector<16xi32>], vector<16xi32>, vector<16xi1>
      } {sc.loop_unroll_factor = 8 : i64, sc.parallel_access}
      "tpu.region"() ({
        %run_scoped3A = tpu.sem_alloc : memref<!tpu.dma_semaphore, #tpu.memory_space<semaphore_mem>>
        %dma_start3A = arith.constant 0 : i32
        %dma_start3A_41 = tpu.memref_slice %arg3[%add3A_28, %dma_start3A] : memref<32768x64xf32, #tpu.memory_space<hbm>> -> memref<128x64xf32, #tpu.memory_space<hbm>>
        %dma_start3A_42 = arith.constant 0 : i32
        %dma_start3A_43 = tpu.memref_slice %arg3[%add3A_28, %dma_start3A_42] : memref<32768x64xf32, #tpu.memory_space<hbm>> -> memref<128x64xf32, #tpu.memory_space<hbm>>
        tpu.enqueue_dma source(%arg6 : memref<128x64xf32, #tpu.memory_space<vmem>>) target(%dma_start3A_43 : memref<128x64xf32, #tpu.memory_space<hbm>>) target_semaphore(%run_scoped3A : memref<!tpu.dma_semaphore, #tpu.memory_space<semaphore_mem>>)
        %dma_wait3A = arith.constant 0 : i32
        %dma_wait3A_44 = tpu.memref_slice %arg3[%add3A_28, %dma_wait3A] : memref<32768x64xf32, #tpu.memory_space<hbm>> -> memref<128x64xf32, #tpu.memory_space<hbm>>
        %dma_wait3A_45 = arith.constant 0 : i32
        %dma_wait3A_46 = tpu.memref_slice %arg3[%add3A_28, %dma_wait3A_45] : memref<32768x64xf32, #tpu.memory_space<hbm>> -> memref<128x64xf32, #tpu.memory_space<hbm>>
        tpu.wait_dma2 semaphore(%run_scoped3A : memref<!tpu.dma_semaphore, #tpu.memory_space<semaphore_mem>>) src(%arg6 : memref<128x64xf32, #tpu.memory_space<vmem>>) dst(%dma_wait3A_46 : memref<128x64xf32, #tpu.memory_space<hbm>>)
        tpu.yield
      }) : () -> ()
      %add3A_36 = arith.constant 16384 : i32
      %add3A_37 = arith.addi %add3A_28, %add3A_36 : i32
      "tpu.region"() ({
        %run_scoped3A = tpu.sem_alloc : memref<!tpu.dma_semaphore, #tpu.memory_space<semaphore_mem>>
        %dma_start3A = arith.constant 0 : i32
        %dma_start3A_41 = tpu.memref_slice %arg3[%add3A_37, %dma_start3A] : memref<32768x64xf32, #tpu.memory_space<hbm>> -> memref<128x64xf32, #tpu.memory_space<hbm>>
        %dma_start3A_42 = arith.constant 0 : i32
        %dma_start3A_43 = tpu.memref_slice %arg3[%add3A_37, %dma_start3A_42] : memref<32768x64xf32, #tpu.memory_space<hbm>> -> memref<128x64xf32, #tpu.memory_space<hbm>>
        tpu.enqueue_dma source(%arg7 : memref<128x64xf32, #tpu.memory_space<vmem>>) target(%dma_start3A_43 : memref<128x64xf32, #tpu.memory_space<hbm>>) target_semaphore(%run_scoped3A : memref<!tpu.dma_semaphore, #tpu.memory_space<semaphore_mem>>)
        %dma_wait3A = arith.constant 0 : i32
        %dma_wait3A_44 = tpu.memref_slice %arg3[%add3A_37, %dma_wait3A] : memref<32768x64xf32, #tpu.memory_space<hbm>> -> memref<128x64xf32, #tpu.memory_space<hbm>>
        %dma_wait3A_45 = arith.constant 0 : i32
        %dma_wait3A_46 = tpu.memref_slice %arg3[%add3A_37, %dma_wait3A_45] : memref<32768x64xf32, #tpu.memory_space<hbm>> -> memref<128x64xf32, #tpu.memory_space<hbm>>
        tpu.wait_dma2 semaphore(%run_scoped3A : memref<!tpu.dma_semaphore, #tpu.memory_space<semaphore_mem>>) src(%arg7 : memref<128x64xf32, #tpu.memory_space<vmem>>) dst(%dma_wait3A_46 : memref<128x64xf32, #tpu.memory_space<hbm>>)
        tpu.yield
      }) : () -> ()
      "tpu.region"() ({
        %run_scoped3A = tpu.sem_alloc : memref<!tpu.dma_semaphore, #tpu.memory_space<semaphore_mem>>
        %dma_start3A = arith.constant 0 : i32
        %dma_start3A_41 = tpu.memref_slice %arg4[%add3A_28, %dma_start3A] : memref<32768x8xi32, #tpu.memory_space<hbm>> -> memref<128x8xi32, #tpu.memory_space<hbm>>
        %dma_start3A_42 = arith.constant 0 : i32
        %dma_start3A_43 = tpu.memref_slice %arg4[%add3A_28, %dma_start3A_42] : memref<32768x8xi32, #tpu.memory_space<hbm>> -> memref<128x8xi32, #tpu.memory_space<hbm>>
        tpu.enqueue_dma source(%arg8 : memref<128x8xi32, #tpu.memory_space<vmem>>) target(%dma_start3A_43 : memref<128x8xi32, #tpu.memory_space<hbm>>) target_semaphore(%run_scoped3A : memref<!tpu.dma_semaphore, #tpu.memory_space<semaphore_mem>>)
        %dma_wait3A = arith.constant 0 : i32
        %dma_wait3A_44 = tpu.memref_slice %arg4[%add3A_28, %dma_wait3A] : memref<32768x8xi32, #tpu.memory_space<hbm>> -> memref<128x8xi32, #tpu.memory_space<hbm>>
        %dma_wait3A_45 = arith.constant 0 : i32
        %dma_wait3A_46 = tpu.memref_slice %arg4[%add3A_28, %dma_wait3A_45] : memref<32768x8xi32, #tpu.memory_space<hbm>> -> memref<128x8xi32, #tpu.memory_space<hbm>>
        tpu.wait_dma2 semaphore(%run_scoped3A : memref<!tpu.dma_semaphore, #tpu.memory_space<semaphore_mem>>) src(%arg8 : memref<128x8xi32, #tpu.memory_space<vmem>>) dst(%dma_wait3A_46 : memref<128x8xi32, #tpu.memory_space<hbm>>)
        tpu.yield
      }) : () -> ()
      %add3A_38 = arith.constant 16384 : i32
      %add3A_39 = arith.addi %add3A_28, %add3A_38 : i32
      "tpu.region"() ({
        %run_scoped3A = tpu.sem_alloc : memref<!tpu.dma_semaphore, #tpu.memory_space<semaphore_mem>>
        %dma_start3A = arith.constant 0 : i32
        %dma_start3A_41 = tpu.memref_slice %arg4[%add3A_39, %dma_start3A] : memref<32768x8xi32, #tpu.memory_space<hbm>> -> memref<128x8xi32, #tpu.memory_space<hbm>>
        %dma_start3A_42 = arith.constant 0 : i32
        %dma_start3A_43 = tpu.memref_slice %arg4[%add3A_39, %dma_start3A_42] : memref<32768x8xi32, #tpu.memory_space<hbm>> -> memref<128x8xi32, #tpu.memory_space<hbm>>
        tpu.enqueue_dma source(%arg9 : memref<128x8xi32, #tpu.memory_space<vmem>>) target(%dma_start3A_43 : memref<128x8xi32, #tpu.memory_space<hbm>>) target_semaphore(%run_scoped3A : memref<!tpu.dma_semaphore, #tpu.memory_space<semaphore_mem>>)
        %dma_wait3A = arith.constant 0 : i32
        %dma_wait3A_44 = tpu.memref_slice %arg4[%add3A_39, %dma_wait3A] : memref<32768x8xi32, #tpu.memory_space<hbm>> -> memref<128x8xi32, #tpu.memory_space<hbm>>
        %dma_wait3A_45 = arith.constant 0 : i32
        %dma_wait3A_46 = tpu.memref_slice %arg4[%add3A_39, %dma_wait3A_45] : memref<32768x8xi32, #tpu.memory_space<hbm>> -> memref<128x8xi32, #tpu.memory_space<hbm>>
        tpu.wait_dma2 semaphore(%run_scoped3A : memref<!tpu.dma_semaphore, #tpu.memory_space<semaphore_mem>>) src(%arg9 : memref<128x8xi32, #tpu.memory_space<vmem>>) dst(%dma_wait3A_46 : memref<128x8xi32, #tpu.memory_space<hbm>>)
        tpu.yield
      }) : () -> ()
      %scan3A_40 = arith.constant 0 : i32
      scf.yield %scan3A_40 : i32
    }
    %scan3A_23 = arith.constant 4 : i32
    return
  }
}

module attributes {stable_mosaic.version = 14 : i64} {
  func.func @_matmul_kernel(%arg0: i32, %arg1: memref<2048x768xf32, #tpu.memory_space<vmem>>, %arg2: memref<2048x768xf32, #tpu.memory_space<vmem>>, %arg3: memref<64x768xf32, #tpu.memory_space<vmem>>, %arg4: memref<2048x128xf32, #tpu.memory_space<vmem>>) attributes {dimension_semantics = [#tpu.dimension_semantics<arbitrary>], iteration_bounds = array<i64: 8>, scalar_prefetch = 0 : i64, scratch_operands = 0 : i64, tpu.core_type = #tpu.core_type<tc>, window_params = [{transform_indices = @transform_0, window_bounds = array<i64: 2048, 768>}, {transform_indices = @transform_1, window_bounds = array<i64: 2048, 768>}, {pipeline_mode = #tpu.pipeline_mode<synchronous>, transform_indices = @transform_2, window_bounds = array<i64: 64, 768>}, {transform_indices = @transform_3, window_bounds = array<i64: 2048, 128>}]} {
    %get3A = arith.constant 0 : index
    %get3A_0 = arith.constant 0 : index
    %get3A_1 = vector.load %arg1[%get3A, %get3A_0] : memref<2048x768xf32, #tpu.memory_space<vmem>>, vector<2048x768xf32>
    %get3A_2 = arith.constant 0 : index
    %get3A_3 = arith.constant 0 : index
    %get3A_4 = vector.load %arg3[%get3A_2, %get3A_3] : memref<64x768xf32, #tpu.memory_space<vmem>>, vector<64x768xf32>
    %dot_general3A = arith.constant dense<0.000000e+00> : vector<2048x64xf32>
    %dot_general3A_5 = tpu.matmul %get3A_1, %get3A_4, %dot_general3A {dimension_numbers = #tpu.dot_dimension_numbers<[1], [1], [0], [0], [0, 0, 1, 0], [], []>, transpose_lhs_hint = false} : vector<2048x768xf32>, vector<64x768xf32>, vector<2048x64xf32> -> vector<2048x64xf32>
    %get3A_6 = arith.constant 0 : index
    %get3A_7 = arith.constant 0 : index
    %get3A_8 = vector.load %arg2[%get3A_6, %get3A_7] : memref<2048x768xf32, #tpu.memory_space<vmem>>, vector<2048x768xf32>
    %get3A_9 = arith.constant 0 : index
    %get3A_10 = arith.constant 0 : index
    %get3A_11 = vector.load %arg3[%get3A_9, %get3A_10] : memref<64x768xf32, #tpu.memory_space<vmem>>, vector<64x768xf32>
    %dot_general3A_12 = arith.constant dense<0.000000e+00> : vector<2048x64xf32>
    %dot_general3A_13 = tpu.matmul %get3A_8, %get3A_11, %dot_general3A_12 {dimension_numbers = #tpu.dot_dimension_numbers<[1], [1], [0], [0], [0, 0, 1, 0], [], []>, transpose_lhs_hint = false} : vector<2048x768xf32>, vector<64x768xf32>, vector<2048x64xf32> -> vector<2048x64xf32>
    %concatenate3A = tpu.concatenate %dot_general3A_5, %dot_general3A_13 in 1 : vector<2048x64xf32>, vector<2048x64xf32> -> vector<2048x128xf32>
    %swap3A = arith.constant 0 : index
    %swap3A_14 = arith.constant 0 : index
    %swap3A_15 = vector.load %arg4[%swap3A, %swap3A_14] : memref<2048x128xf32, #tpu.memory_space<vmem>>, vector<2048x128xf32>
    tpu.vector_store %arg4[%swap3A, %swap3A_14], %concatenate3A {strides = array<i32>} : memref<2048x128xf32, #tpu.memory_space<vmem>>, vector<2048x128xf32>,
    return
  }
  func.func @transform_0(%arg0: i32) -> (i32, i32) {
    %add3A = arith.constant 0 : i32
    %add3A_0 = arith.addi %arg0, %add3A : i32
    %c0_i32 = arith.constant 0 : i32
    %c0_i32_1 = arith.constant 0 : i32
    return %add3A_0, %c0_i32 : i32, i32
  }
  func.func @transform_1(%arg0: i32) -> (i32, i32) {
    %add3A = arith.constant 8 : i32
    %add3A_0 = arith.addi %arg0, %add3A : i32
    %c0_i32 = arith.constant 0 : i32
    %c0_i32_1 = arith.constant 0 : i32
    return %add3A_0, %c0_i32 : i32, i32
  }
  func.func @transform_2(%arg0: i32) -> (i32, i32) {
    %c0_i32 = arith.constant 0 : i32
    %c0_i32_0 = arith.constant 0 : i32
    %c0_i32_1 = arith.constant 0 : i32
    return %c0_i32, %c0_i32_0 : i32, i32
  }
  func.func @transform_3(%arg0: i32) -> (i32, i32) {
    %c0_i32 = arith.constant 0 : i32
    %c0_i32_0 = arith.constant 0 : i32
    return %arg0, %c0_i32 : i32, i32
  }
}

</mosaic_0001>

<sc_bundles>
// kernel: kernel.4.cloned.1.call-start
scs
__scs_entry_jumppad:
0x0: {  	(pc) =	sbr.rel $0x88, $3  }
0x1: {  	(tag) =	ssettag $0x0;
	lr =	simm.s32 $0x1  }
0x2: {  	[smem:$0x3F9F] =	sst lr;
	_ =	strace $0xD0000000  }
0x3: {  	_ = 	snop  }
0x4: {  	_ = 	snop  }
0x5: {  	_ = 	snop  }
0x6: {  	_ = 	snop  }
0x7: {  	_ = 	snop  }
__scs_overlays_trampoline_lowered:
0x8: {  	[smem:$0x3FAE] =	sst s0  }
0x9: {  	[smem:$0x3FAF] =	sst s1  }
0xa: {  	[smem:$0x3FB0] =	sst s2  }
0xb: {  	[smem:$0x3FB1] =	sst s3  }
0xc: {  	[smem:$0x3FB2] =	sst s4  }
0xd: {  	[smem:$0x3FB3] =	sst s5  }
0xe: {  	[smem:$0x3FB4] =	sst s6  }
0xf: {  	[smem:$0x3FB5] =	sst s7  }
0x10: {  	[smem:$0x3FB6] =	sst s8  }
0x11: {  	[smem:$0x3FB7] =	sst s9;
	s0 =	simm.s32 @!p0 $0x0  }
0x12: {  	s1 =	sld [smem:$0x3F9D];
	s0 =	simm.s32 @p0 $0x1  }
0x13: {  	[smem:$0x3FB8] =	sst s0;
	s0 =	simm.s32 @!p1 $0x0  }
0x14: {  	s2 =	sld [smem:$0x3F9C];
	s0 =	simm.s32 @p1 $0x1  }
0x15: {  	[smem:$0x3FB9] =	sst s0;
	s0 =	simm.s32 @!p2 $0x0  }
0x16: {  	s3 =	sld [smem:$0x3FDB];
	s0 =	simm.s32 @p2 $0x1  }
0x17: {  	s4 =	simm.s32 $0x1BF5;
	[smem:$0x3FBB] =	sst s0  }
0x18: {  	s0 =	sld [smem:$0x3F9E];
	_ =	swait.ge [sflag:s4], $0x0  }
0x19: {  	s7 =	sld [smem:$0x3F9F]  }
0x1a: {  	s8 =	sadd.s32 $0xFFFFE003, lr  }
0x1b: {  	s9 =	sadd.s32 $0xFFFFFEF7, lr;
	s5 =	simm.s32 $0xFFFFFFFF;
	p2 =	slt.u32 s8, $0xFFFFF086  }
0x1c: {  	p1 =	slt.u32 s9, $0xF7A;
	s5 =	simm.s32 @!p2 $0x0  }
0x1d: {  	s5 =	simm.s32 @p1 $0x1;
	p0 =	seq.s32 s7, s2  }
0x1e: {  	s7 =	smul.u32 @!p0 $0xF7A, s2;
	p2 =	seq.s32 @!p0 s5, $0x0  }
0x1f: {  	s9 =	smul.u32 $0xF7A, s1;
	s8 =	simm.s32 @!p0 $0x1BF5;
	p2 =	por !p2, p0  }
0x20: {  	[sflag:s8] =	ssyncset.s32 @!p0 $0xFFFFF086;
	s6 =	sadd.s32 @!p0 s3, s7;
	s7 =	simm.s32 @!p0 $0x108  }
0x21: {  	s3 =	sadd.s32 s3, s9;
	s6 =	sadd.s32 @!p0 $0x88, s6;
	s7 =	simm.s32 @p2 $0x1082  }
0x22: {  	[simem:s7], [sflag:s8] =	dma.local @!p0 [hbm:s6], $0xF7A  }
0x23: {  	s9 =	sor.u32 $0xD0000000, s2;
	s6 =	simm.s32 $0x108;
	_ =	swait.ge @!p0 [sflag:s8], $0x0  }
0x24: {  	s3 =	sadd.s32 $0x88, s3;
	s6 =	simm.s32 @!p1 $0x1082;
	[sflag:s4] =	ssyncset.s32 $0xFFFFF086  }
0x25: {  	[simem:s6], [sflag:s4] =	dma.local [hbm:s3], $0xF7A  }
0x26: {  	[smem:$0x3F9F] =	sst s1;
	(tag) =	ssettag s2;
	_ =	strace s9  }
0x27: {  	s1 =	sld [smem:$0x3FAF]  }
0x28: {  	s2 =	sld [smem:$0x3FB0]  }
0x29: {  	s4 =	sld [smem:$0x3FB2]  }
0x2a: {  	p0 =	seq.s32 s5, $0x0;
	s5 =	sld [smem:$0x3FB3]  }
0x2b: {  	s6 =	sld [smem:$0x3FB4]  }
0x2c: {  	s7 =	sld [smem:$0x3FB5]  }
0x2d: {  	s3 =	simm.s32 $0x108;
	s8 =	sld [smem:$0x3FB6]  }
0x2e: {  	s3 =	simm.s32 @!p0 $0x1082;
	s9 =	sld [smem:$0x3FB7]  }
0x2f: {  	lr =	sadd.s32 s0, s3;
	s0 =	sld [smem:$0x3FAE]  }
0x30: {  	s3 =	sld [smem:$0x3FB1]  }
0x31: {  	[smem:$0x3FBA] =	sst s10  }
0x32: {  	s10 =	sld [smem:$0x3FB8];
	_ =	sdelay $0x3  }
0x33: {  	p0 =	seq.s32 s10, $0x1;
	s10 =	sld [smem:$0x3FBA];
	_ =	sdelay $0x3  }
0x34: {  	[smem:$0x3FBA] =	sst s10  }
0x35: {  	s10 =	sld [smem:$0x3FB9];
	_ =	sdelay $0x3  }
0x36: {  	p1 =	seq.s32 s10, $0x1;
	s10 =	sld [smem:$0x3FBA];
	_ =	sdelay $0x3  }
0x37: {  	[smem:$0x3FBA] =	sst s10  }
0x38: {  	s10 =	sld [smem:$0x3FBB]  }
0x39: {  	_ = 	snop;
	(pc) =	sbr.ind lr, $3  }
0x3a: {  	_ = 	snop  }
0x3b: {  	_ = 	snop  }
0x3c: {  	p2 =	seq.s32 s10, $0x1;
	s10 =	sld [smem:$0x3FBA]  }
0x3d: {  	_ =	shalt  }
0x3e: {  	_ =	shalt  }
0x3f: {  	_ =	shalt  }
0x40: {  	_ =	shalt  }
0x41: {  	_ =	shalt  }
0x42: {  	_ =	shalt  }
0x43: {  	_ =	shalt  }
0x44: {  	_ =	shalt  }
0x45: {  	_ =	shalt  }
0x46: {  	_ =	shalt  }
0x47: {  	_ =	shalt  }
0x48: {  	_ =	shalt  }
0x49: {  	_ =	shalt  }
0x4a: {  	_ =	shalt  }
0x4b: {  	_ =	shalt  }
0x4c: {  	_ =	shalt  }
0x4d: {  	_ =	shalt  }
0x4e: {  	_ =	shalt  }
0x4f: {  	_ =	shalt  }
0x50: {  	_ =	shalt  }
0x51: {  	_ =	shalt  }
0x52: {  	_ =	shalt  }
0x53: {  	_ =	shalt  }
0x54: {  	_ =	shalt  }
0x55: {  	_ =	shalt  }
0x56: {  	_ =	shalt  }
0x57: {  	_ =	shalt  }
0x58: {  	_ =	shalt  }
0x59: {  	_ =	shalt  }
0x5a: {  	_ =	shalt  }
0x5b: {  	_ =	shalt  }
0x5c: {  	_ =	shalt  }
0x5d: {  	_ =	shalt  }
0x5e: {  	_ =	shalt  }
0x5f: {  	_ =	shalt  }
0x60: {  	_ =	shalt  }
0x61: {  	_ =	shalt  }
0x62: {  	_ =	shalt  }
0x63: {  	_ =	shalt  }
0x64: {  	_ =	shalt  }
0x65: {  	_ =	shalt  }
0x66: {  	_ =	shalt  }
0x67: {  	_ =	shalt  }
0x68: {  	_ =	shalt  }
0x69: {  	_ =	shalt  }
0x6a: {  	_ =	shalt  }
0x6b: {  	_ =	shalt  }
0x6c: {  	_ =	shalt  }
0x6d: {  	_ =	shalt  }
0x6e: {  	_ =	shalt  }
0x6f: {  	_ =	shalt  }
0x70: {  	_ =	shalt  }
0x71: {  	_ =	shalt  }
0x72: {  	_ =	shalt  }
0x73: {  	_ =	shalt  }
0x74: {  	_ =	shalt  }
0x75: {  	_ =	shalt  }
0x76: {  	_ =	shalt  }
0x77: {  	_ =	shalt  }
0x78: {  	_ =	shalt  }
0x79: {  	_ =	shalt  }
0x7a: {  	_ =	shalt  }
0x7b: {  	_ =	shalt  }
0x7c: {  	_ =	shalt  }
0x7d: {  	_ =	shalt  }
0x7e: {  	_ =	shalt  }
0x7f: {  	_ =	shalt  }
0x80: {  	_ =	shalt  }
0x81: {  	_ =	shalt  }
0x82: {  	_ =	shalt  }
0x83: {  	_ =	shalt  }
0x84: {  	_ =	shalt  }
0x85: {  	_ =	shalt  }
0x86: {  	_ =	shalt  }
0x87: {  	_ =	shalt  }
.Lfunc_end0:
.L_simem_size_0:
called_computation_lowered:
.L_overlay_start_0:
0x88: {  	s2 =	sld [smem:$0x3FD9]  }
0x89: {  	s3 =	sld [smem:$0x3FFE];
	_ =	sdelay $0x1  }
0x8a: {  	s1 =	srdreg.scid  }
0x8b: {  	s0 =	sand.u32 $0x1, s1  }
0x8c: {  	s14 =	sshll.u32 s0, $0xA;
	s2 =	sadd.s32 s3, s2  }
0x8d: {  	s2 =	sadd.s32 s2, s14  }
0x8e: {  	[smem:$0x3FC6] =	sst s2  }
0x8f: {  	_ = 	snop  }
0x90: {  	s2 =	sld [smem:$0x3FD0];
	_ =	sdelay $0x2  }
0x91: {  	s15 =	simm.s32 $0xA;
	s4 =	simm.s32 $0x10  }
0x92: {  	[smem:s4], [sflag:s15] =	dma.local [hbm:s2], $0x1  }
0x93: {  	_ =	swait.eq [sflag:s15], $0x1  }
0x94: {  	[sflag:s15] =	ssyncset.done $0x0  }
0x95: {  	[sflag:s15] =	ssyncadd.s32 $0xFFFFFFFF  }
0x96: {  	s16 =	sld [smem:$0x10];
	(tm) =	ssettm $0x1  }
0x97: {  	s17 =	sld [smem:$0x3FFB];
	_ =	sdelay $0x3  }
0x98: {  	_ =	strace s17  }
0x99: {  	s3 =	sld [smem:$0x3FFC];
	_ =	sdelay $0x3  }
0x9a: {  	_ =	strace s3  }
0x9b: {  	s3 =	sld [smem:$0x3FFD];
	_ =	sdelay $0x3  }
0x9c: {  	_ =	strace s3  }
0x9d: {  	_ =	strace $0x8FFFFFFF  }
0x9e: {  	s18 =	sld [smem:$0x3FDB];
	_ =	sdelay $0x1  }
0x9f: {  	s19 =	simm.s32 $_scs_section_size  }
0xa0: {  	s5 =	simm.s32 $_size__tile_overlayer_lowered;
	s6 =	simm.s32 $_tile_overlayer_lowered  }
0xa1: {  	s22 =	simm.s32 $0x1BFF;
	s21 =	sshll.u32 s6, $0x1;
	s3 =	sadd.s32 s19, s18  }
0xa2: {  	s7 =	simm.s32 $0x0;
	s20 =	sshll.u32 s5, $0x1;
	s5 =	sadd.s32 s21, s3  }
0xa3: {  	[timem:s7], [sflag:s22] =	dma.local [hbm:s5], s20  }
0xa4: {  	_ =	swait.ge [sflag:s22], s20  }
0xa5: {  	s4 =	ssub.s32 $0x0, s20;
	[sflag:s22] =	ssyncset.done $0x0  }
0xa6: {  	[sflag:s22] =	ssyncadd.s32 s4;
	_ =	sdelay $0x1  }
0xa7: {  	s23 =	simm.s32 $0x1B8B  }
0xa8: {  	_ =	swait.ge [sflag:s23], $0x1  }
0xa9: {  	[sflag:s23] =	ssyncset.done $0x0  }
0xaa: {  	s25 =	simm.s32 $0x1B8E;
	s24 =	sld [smem:$0x3FFE];
	[sflag:s23] =	ssyncadd.s32 $0xFFFFFFFF  }
0xab: {  	s26 =	simm.s32 $execute0_lowered;
	[smem:$0x3FD2] =	sst s25  }
0xac: {  	s5 =	sshll.u32 s26, $0x1;
	_ =	strace $0x80000046;
	[dreg:$0x1] =	wrdreg $0xFFFFFFFF  }
0xad: {  	s28 =	simm.s32 $_size_execute0_lowered;
	s3 =	sadd.s32 s3, s5;
	[dreg:$0x0] =	wrdreg $0x0  }
0xae: {  	s5 =	sshll.u32 s28, $0x1;
	[dreg:$0x2] =	wrdreg s3  }
0xaf: {  	[dreg:$0x3] =	wrdreg s5  }
0xb0: {  	[dreg:$0x4] =	wrdreg $0xC0  }
0xb1: {  	_ =	task [dreg:s7], $0x5FFFF  }
0xb2: {  	[dreg:$0x1] =	wrdreg $0xFFFFFFFF  }
0xb3: {  	[dreg:$0x0] =	wrdreg $0x60  }
0xb4: {  	[dreg:$0x2] =	wrdreg s16  }
0xb5: {  	[dreg:$0x3] =	wrdreg s24  }
0xb6: {  	[dreg:$0x4] =	wrdreg $0x9  }
0xb7: {  	_ =	task.clear_ibuf [dreg:s7], $0x5FFFF;
	_ =	strace $0x90000046  }
0xb8: {  	s29 =	simm.s32 $0x9;
	_ =	strace $0x80000048  }
0xb9: {  	_ =	swait.ge [sflag:s29], $0x1  }
0xba: {  	[sflag:s29] =	ssyncadd.s32 $0xFFFFFFFF  }
0xbb: {  	_ =	strace $0x90000048  }
0xbc: {  	_ =	sfence  }
0xbd: {  	s30 =	sld [smem:$0x0];
	_ =	sdelay $0x2  }
0xbe: {  	s31 =	sshll.u32 s1, $0xD;
	s1 =	sshrl.u32 s1, $0x2  }
0xbf: {  	s3 =	sand.u32 $0x4000, s31;
	s1 =	sadd.s32 s1, s30  }
0xc0: {  	s0 =	sor.u32 s3, s0;
	s1 =	sshll.u32 s1, $0x11  }
0xc1: {  	s0 =	sor.u32 s1, s0  }
0xc2: {  	s0 =	sadd.s32 $0x8F2B, s0  }
0xc3: {  	[sflag:s0] =	ssyncadd.remote.s32 $0x1  }
0xc4: {  	_ =	sfence.sel $0xFFFF  }
0xc5: {  	[dreg:$0x0] =	wrdreg $0xFFFFFFFF;
	(pc) =	sbr.abs _section_cstart, $3  }
0xc6: {  	[dreg:$0x1] =	wrdreg $0xFFFFFFFF  }
0xc7: {  	_ =	task.clear_ibuf [dreg:s7], $0x2FFFF;
	_ =	strace $0x9FFFFFFF  }
0xc8: {  	(tm) =	ssettm $0x7FFFFFFF  }
0xc9: {  	_ =	shalt  }
tec
execute0_lowered:
.L_overlay_start_1:
0x0: {  	(tag) =	ssettag $0x1  }
0x1: {  	s1 =	rddreg [dreg:$0x0]  }
0x2: {  	s5 =	rddreg [dreg:$0x1]  }
0x3: {  	s0 =	rddreg [dreg:$0x2]  }
0x4: {  	s2 =	simm.s32 $0x0;
	s3 =	srdreg.scid;
	s9 =	simm.s32 $0x4000  }
0x5: {  	s10 =	simm.s32 $0x8000;
	s11 =	simm.s32 $0xC000;
	s12 =	simm.s32 $0x10000  }
0x6: {  	v0 =	vlaneseq.u32;
	s13 =	simm.s32 $0x0;
	[smem:$0x7FF] =	sst s2;
	s6 =	sand.u32 $0x1, s3  }
0x7: {  	s4 =	sadd.s32 $0xE00, s5;
	s3 =	stileid.u32;
	v28 =	vor.u32 $0x10, v0;
	s7 =	ssub.s32 $0x2, s6  }
0x8: {  	s5 =	sadd.s32 $0x80E00, s5;
	v5 =	vmul.u32 $0xFFFFFFFF, v0;
	v4 =	vor.u32 $0x30, v0;
	_ =	strace $0x80000047;
	[tilespmem:$0x1FFD0] =	vst v28;
	s8 =	sshrl.u32 s7, $0x1  }
0x9: {  	v53 =	vor.u32 $0x20, v0;
	s31 =	sshll.u32 s3, $0xE;
	s6 =	sshll.u32 s6, $0xD;
	[tilespmem:$0x1FFE0] =	vst v4;
	s7 =	ssub.s32 s7, s8  }
0xa: {  	v1 =	vimm.f32 $0.0e+00;
	vm0 =	vmmov $0xff;
	[tilespmem:$0x1FFF0] =	vst v53;
	s6 =	sor.u32 s6, s31;
	v52 =	vadd.s32 $0xF, v5;
	s8 =	simm.s32 $0x1;
	s7 =	smax.u32 s7, $0x1  }
.LBB2_1:
0xb: {  	s14 =	simm.s32 $0x0  }
.LBB2_2:
0xc: {  	s15 =	sshll.u32 s14, $0xB  }
0xd: {  	s15 =	sadd.s32 s6, s15  }
0xe: {  	s16 =	sadd.s32 s1, s15  }
0xf: {  	[tilespmem:s2], [sflag:$0x1] =	stream.linear.gather [hbm4b:s16+s2], $0x4000, $0x38;
	[tilespmem:$0x14000] =	vst v63  }
0x10: {  	_ =	swait.ge [sflag:s8], $0x4000  }
0x11: {  	[sflag:s8] =	ssyncset.done $0x0  }
0x12: {  	s17 =	simm.s32 $0x4100;
	[sflag:s8] =	ssyncadd.s32 $0xFFFFC000  }
0x13: {  	[tilespmem:s17+$0xA0] =	vst v1  }
0x14: {  	[tilespmem:s17+$0xFFFFFF00] =	vst v1  }
0x15: {  	[tilespmem:s17+$0x90] =	vst v1  }
0x16: {  	[tilespmem:s17+$0x30] =	vst v1  }
0x17: {  	[tilespmem:s17+$0xB0] =	vst v1  }
0x18: {  	[tilespmem:s17+$0xFFFFFFA0] =	vst v1  }
0x19: {  	[tilespmem:s17+$0x10] =	vst v1  }
0x1a: {  	[tilespmem:s17+$0x80] =	vst v1  }
0x1b: {  	[tilespmem:s17+$0x20] =	vst v1  }
0x1c: {  	[tilespmem:s17+$0xFFFFFF10] =	vst v1  }
0x1d: {  	[tilespmem:s17+$0xFFFFFF20] =	vst v1  }
0x1e: {  	[tilespmem:s17+$0xFFFFFF30] =	vst v1  }
0x1f: {  	[tilespmem:s17+$0xFFFFFF80] =	vst v1  }
0x20: {  	[tilespmem:s17+$0xFFFFFFB0] =	vst v1  }
0x21: {  	[tilespmem:s17+$0x0] =	vst v1  }
0x22: {  	s18 =	simm.s32 $0x8100;
	[tilespmem:s17+$0xFFFFFF90] =	vst v1  }
0x23: {  	[tilespmem:s18+$0xFFFFFF00] =	vst v1  }
0x24: {  	[tilespmem:s18+$0xB0] =	vst v1  }
0x25: {  	[tilespmem:s18+$0xA0] =	vst v1  }
0x26: {  	[tilespmem:s18+$0x90] =	vst v1  }
0x27: {  	[tilespmem:s18+$0x80] =	vst v1  }
0x28: {  	[tilespmem:s18+$0x30] =	vst v1  }
0x29: {  	[tilespmem:s18+$0xFFFFFFA0] =	vst v1  }
0x2a: {  	[tilespmem:s18+$0x20] =	vst v1  }
0x2b: {  	[tilespmem:s18+$0x10] =	vst v1  }
0x2c: {  	[tilespmem:s18+$0x0] =	vst v1  }
0x2d: {  	[tilespmem:s18+$0xFFFFFFB0] =	vst v1  }
0x2e: {  	[tilespmem:s18+$0xFFFFFF90] =	vst v1  }
0x2f: {  	[tilespmem:s18+$0xFFFFFF80] =	vst v1  }
0x30: {  	[tilespmem:s18+$0xFFFFFF30] =	vst v1  }
0x31: {  	s19 =	simm.s32 $0x0;
	s16 =	simm.s32 $0x200;
	[tilespmem:s18+$0xFFFFFF20] =	vst v1  }
.LBB2_3:
0x32: {  	s19 =	sadd.s32 $0x10, s19;
	[tilespmem:s18+$0xFFFFFF10] =	vst v1;
	s17 =	sadd.s32 $0x200, s17;
	s18 =	sadd.s32 $0x200, s18  }
0x33: {  	[tilespmem:s17+$0xA0] =	vst v1;
	p0 =	slt.u32 s19, $0x1F0  }
0x34: {  	[tilespmem:s17+$0xFFFFFF00] =	vst v1  }
0x35: {  	[tilespmem:s18+$0xFFFFFF00] =	vst v1  }
0x36: {  	[tilespmem:s17+$0x90] =	vst v1  }
0x37: {  	[tilespmem:s17+$0x30] =	vst v1  }
0x38: {  	[tilespmem:s17+$0xB0] =	vst v1  }
0x39: {  	[tilespmem:s18+$0xB0] =	vst v1  }
0x3a: {  	[tilespmem:s18+$0xA0] =	vst v1  }
0x3b: {  	[tilespmem:s18+$0x90] =	vst v1  }
0x3c: {  	[tilespmem:s17+$0xFFFFFFA0] =	vst v1  }
0x3d: {  	[tilespmem:s17+$0x10] =	vst v1  }
0x3e: {  	[tilespmem:s17+$0x80] =	vst v1  }
0x3f: {  	[tilespmem:s18+$0x80] =	vst v1  }
0x40: {  	[tilespmem:s18+$0x30] =	vst v1  }
0x41: {  	[tilespmem:s18+$0xFFFFFFA0] =	vst v1  }
0x42: {  	[tilespmem:s17+$0x20] =	vst v1  }
0x43: {  	[tilespmem:s18+$0x20] =	vst v1  }
0x44: {  	[tilespmem:s18+$0x10] =	vst v1  }
0x45: {  	[tilespmem:s17+$0xFFFFFF10] =	vst v1  }
0x46: {  	[tilespmem:s17+$0xFFFFFF20] =	vst v1  }
0x47: {  	[tilespmem:s17+$0xFFFFFF30] =	vst v1  }
0x48: {  	[tilespmem:s17+$0xFFFFFF80] =	vst v1  }
0x49: {  	[tilespmem:s17+$0xFFFFFFB0] =	vst v1  }
0x4a: {  	[tilespmem:s17+$0x0] =	vst v1  }
0x4b: {  	[tilespmem:s18+$0x0] =	vst v1  }
0x4c: {  	[tilespmem:s18+$0xFFFFFFB0] =	vst v1  }
.Ltmp0:
0x4d: {  	[tilespmem:s17+$0xFFFFFF90] =	vst v1;
	(pc) =	sbr.rel @p0 .LBB2_3-.Ltmp0, $4  }
0x4e: {  	[tilespmem:s18+$0xFFFFFF90] =	vst v1  }
0x4f: {  	[tilespmem:s18+$0xFFFFFF80] =	vst v1  }
0x50: {  	[tilespmem:s18+$0xFFFFFF30] =	vst v1  }
0x51: {  	[tilespmem:s18+$0xFFFFFF20] =	vst v1  }
0x52: {  	[tilespmem:s18+$0xFFFFFF10] =	vst v1  }
0x53: {  	v6 =	vld [tilespmem:s16+$0x190]  }
0x54: {  	v7 =	vld [tilespmem:s16+$0x1B0]  }
0x55: {  	v8 =	vld [tilespmem:s16+$0x1A0]  }
0x56: {  	v9 =	vld [tilespmem:s16+$0x1D0]  }
0x57: {  	v10 =	vld [tilespmem:s16+$0x1F0]  }
0x58: {  	v11 =	vld [tilespmem:s16+$0x180];
	(xrf1) =	vsort.dscd.msk.f32 $0xffff, v6, v28  }
0x59: {  	v6 =	vld [tilespmem:s16+$0x1E0];
	(xrf1) =	vsort.dscd.msk.f32 $0xffff, v7, v4  }
0x5a: {  	v7 =	vld [tilespmem:s16+$0xFFFFFE30];
	(xrf1) =	vsort.dscd.msk.f32 $0xffff, v8, v53  }
0x5b: {  	v8 =	vld [tilespmem:s16+$0x1C0];
	(xrf1) =	vsort.dscd.msk.f32 $0xffff, v9, v28  }
0x5c: {  	v9 =	vld [tilespmem:s16+$0xFFFFFE70];
	(xrf1) =	vsort.dscd.msk.f32 $0xffff, v10, v4  }
0x5d: {  	v10 =	vld [tilespmem:s16+$0xFFFFFEB0];
	(xrf1) =	vsort.dscd.msk.f32 $0xffff, v11, v0  }
0x5e: {  	v11 =	vld [tilespmem:s16+$0xFFFFFEF0];
	(xrf1) =	vsort.dscd.msk.f32 $0xffff, v6, v53  }
0x5f: {  	v6 =	vld [tilespmem:s16+$0xFFFFFF30];
	(xrf1) =	vsort.dscd.msk.f32 $0xffff, v7, v4  }
0x60: {  	v7 =	vld [tilespmem:s16+$0xFFFFFF70];
	(xrf1) =	vsort.dscd.msk.f32 $0xffff, v8, v0  }
0x61: {  	v8 =	vld [tilespmem:s16+$0xFFFFFFB0];
	(xrf1) =	vsort.dscd.msk.f32 $0xffff, v9, v4  }
0x62: {  	v9 =	vld [tilespmem:s16+$0xFFFFFFF0];
	(xrf1) =	vsort.dscd.msk.f32 $0xffff, v10, v4  }
0x63: {  	v10 =	vld [tilespmem:s16+$0x30];
	(xrf1) =	vsort.dscd.msk.f32 $0xffff, v11, v4  }
0x64: {  	v11 =	vld [tilespmem:s16+$0x70];
	(xrf1) =	vsort.dscd.msk.f32 $0xffff, v6, v4  }
0x65: {  	(xrf1) =	vsort.dscd.msk.f32 $0xffff, v7, v4  }
0x66: {  	(xrf1) =	vsort.dscd.msk.f32 $0xffff, v8, v4;
	v6, v7, _ =	vpop (xrf1)  }
0x67: {  	(xrf1) =	vsort.dscd.msk.f32 $0xffff, v9, v4;
	v8, v9, _ =	vpop (xrf1)  }
0x68: {  	v8 =	vperm.xlane v8, v52;
	(xrf1) =	vsort.dscd.msk.f32 $0xffff, v10, v4;
	v10, v12, _ =	vpop (xrf1)  }
0x69: {  	v9 =	vperm.xlane v9, v52;
	(xrf1) =	vsort.dscd.msk.f32 $0xffff, v11, v4;
	v11, v13, _ =	vpop (xrf1)  }
0x6a: {  	v7 =	vperm.xlane v7, v52;
	v8 =	vsel vm0, v10, v8;
	v10 =	vperm.xlane v11, v52;
	v11, v51, _ =	vpop (xrf1)  }
0x6b: {  	v14 =	vld [tilespmem:s16+$0xB0];
	v6 =	vperm.xlane v6, v52;
	v9 =	vsel vm0, v12, v9;
	v11 =	vperm.xlane v11, v52;
	v15, v16, _ =	vpop (xrf1)  }
0x6c: {  	v12 =	vperm.xlane v51, v52;
	(xrf1) =	vsort.dscd.msk.f32 $0xffff, v8, v9;
	v7 =	vsel vm0, v16, v7  }
0x6d: {  	v8 =	vld [tilespmem:s16+$0xF0];
	v9 =	vperm.xlane v13, v52;
	v6 =	vsel vm0, v15, v6;
	v55, v54, _ =	vpop (xrf1)  }
0x6e: {  	v56 =	vld [tilespmem:s16+$0x130];
	v11 =	vsel vm0, v55, v11;
	v12 =	vsel vm0, v54, v12;
	v57, v58, _ =	vpop (xrf1);
	(xrf1) =	vsort.dscd.msk.f32 $0xffff, v6, v7  }
0x6f: {  	v6 =	vld [tilespmem:s16+$0x170];
	(xrf1) =	vsort.dscd.msk.f32 $0xffff, v11, v12;
	v7, v17, _ =	vpop (xrf1)  }
0x70: {  	v11 =	vld [tilespmem:s16+$0xFFFFFE10];
	(xrf1) =	vsort.dscd.msk.f32 $0xffff, v14, v4;
	v7 =	vsel vm0, v7, v10;
	v9 =	vsel vm0, v17, v9  }
0x71: {  	v10 =	vld [tilespmem:s16+$0xFFFFFE20];
	v59, v18, _ =	vpop (xrf1);
	(xrf1) =	vsort.dscd.msk.f32 $0xffff, v7, v9  }
0x72: {  	v7 =	vld [tilespmem:s16+$0xFFFFFE50];
	v19, v20, _ =	vpop (xrf1);
	(xrf1) =	vsort.dscd.msk.f32 $0xffff, v8, v4  }
0x73: {  	v8 =	vld [tilespmem:s16+$0xFFFFFE60];
	v21, v22, _ =	vpop (xrf1);
	(xrf1) =	vsort.dscd.msk.f32 $0xffff, v56, v4  }
0x74: {  	v9 =	vld [tilespmem:s16+$0xFFFFFE90];
	v16, v23, _ =	vpop (xrf1);
	(xrf1) =	vsort.dscd.msk.f32 $0xffff, v6, v4  }
0x75: {  	v6 =	vld [tilespmem:s16+$0xFFFFFEA0];
	v24, v25, _ =	vpop (xrf1);
	(xrf1) =	vsort.dscd.msk.f32 $0xffff, v11, v28  }
0x76: {  	v11 =	vld [tilespmem:s16+$0xFFFFFED0];
	v26, v27, _ =	vpop (xrf1);
	(xrf1) =	vsort.dscd.msk.f32 $0xffff, v10, v53  }
0x77: {  	v10 =	vld [tilespmem:s16+$0xFFFFFEE0];
	v0, v29, _ =	vpop (xrf1);
	(xrf1) =	vsort.dscd.msk.f32 $0xffff, v7, v28  }
0x78: {  	v30, v31, _ =	vpop (xrf1);
	(xrf1) =	vsort.dscd.msk.f32 $0xffff, v8, v53  }
0x79: {  	v7 =	vld [tilespmem:s16+$0xFFFFFF10];
	v32, v33, _ =	vpop (xrf1);
	(xrf1) =	vsort.dscd.msk.f32 $0xffff, v9, v28  }
0x7a: {  	(xrf1) =	vsort.dscd.msk.f32 $0xffff, v6, v53;
	v6, v9, _ =	vpop (xrf1)  }
0x7b: {  	v8 =	vld [tilespmem:s16+$0xFFFFFF20];
	v6 =	vperm.xlane v6, v52;
	(xrf1) =	vsort.dscd.msk.f32 $0xffff, v11, v28  }
0x7c: {  	v9 =	vperm.xlane v9, v52;
	(xrf1) =	vsort.dscd.msk.f32 $0xffff, v10, v53;
	v10, v11, _ =	vpop (xrf1)  }
0x7d: {  	v6 =	vsel vm0, v10, v6  }
0x7e: {  	v60 =	vld [tilespmem:s16+$0xFFFFFF50];
	v9 =	vsel vm0, v11, v9;
	(xrf1) =	vsort.dscd.msk.f32 $0xffff, v7, v28;
	v7, v10, _ =	vpop (xrf1)  }
0x7f: {  	(xrf1) =	vsort.dscd.msk.f32 $0xffff, v6, v9;
	v34, v35, _ =	vpop (xrf1)  }
0x80: {  	v9 =	vld [tilespmem:s16+$0xFFFFFF60];
	v7 =	vperm.xlane v7, v52;
	v10 =	vperm.xlane v10, v52;
	(xrf1) =	vsort.dscd.msk.f32 $0xffff, v8, v53;
	v6, v8, _ =	vpop (xrf1)  }
0x81: {  	v11 =	vld [tilespmem:s16+$0xFFFFFF90];
	v36, v37, _ =	vpop (xrf1)  }
0x82: {  	v6 =	vsel vm0, v6, v7;
	v7 =	vsel vm0, v8, v10;
	v10 =	vld [tilespmem:s16+$0xFFFFFFA0];
	v38, v39, _ =	vpop (xrf1)  }
0x83: {  	v61 =	vld [tilespmem:s16+$0xFFFFFFD0];
	(xrf1) =	vsort.dscd.msk.f32 $0xffff, v60, v28;
	v40, v41, _ =	vpop (xrf1)  }
0x84: {  	v42 =	vld [tilespmem:s16+$0xFFFFFFE0];
	(xrf1) =	vsort.dscd.msk.f32 $0xffff, v6, v7;
	v17, v62, _ =	vpop (xrf1)  }
0x85: {  	(xrf1) =	vsort.dscd.msk.f32 $0xffff, v9, v53;
	[tilespmem:$0x1FDC0] =	vst v62;
	v44, v45, _ =	vpop (xrf1)  }
0x86: {  	(xrf1) =	vsort.dscd.msk.f32 $0xffff, v11, v28;
	v43 =	vld [tilespmem:s16+$0x10];
	v5, v63, _ =	vpop (xrf1)  }
0x87: {  	v46 =	vld [tilespmem:s16+$0x20];
	(xrf1) =	vsort.dscd.msk.f32 $0xffff, v10, v53;
	[tilespmem:$0x1FDD0] =	vst v5;
	v48, v49, _ =	vpop (xrf1)  }
0x88: {  	[tilespmem:$0x1FDE0] =	vst v63;
	(xrf1) =	vsort.dscd.msk.f32 $0xffff, v61, v28;
	v12, v10, _ =	vpop (xrf1)  }
0x89: {  	v47 =	vld [tilespmem:s16+$0x50];
	(xrf1) =	vsort.dscd.msk.f32 $0xffff, v42, v53;
	v42, v51, _ =	vpop (xrf1)  }
0x8a: {  	v50 =	vld [tilespmem:s16+$0x60];
	[tilespmem:$0x1FDF0] =	vst v12;
	v6, v5, _ =	vpop (xrf1)  }
0x8b: {  	v2 =	vmov v53;
	v53 =	vld [tilespmem:s16+$0x90];
	[tilespmem:$0x1FE00] =	vst v6  }
0x8c: {  	[tilespmem:$0x1FE10] =	vst v5;
	(xrf1) =	vsort.dscd.msk.f32 $0xffff, v43, v28  }
0x8d: {  	v1 =	vperm.xlane v57, v52;
	v56, v57, _ =	vpop (xrf1);
	v55 =	vld [tilespmem:s16+$0xA0];
	(xrf1) =	vsort.dscd.msk.f32 $0xffff, v46, v2  }
0x8e: {  	v14, v5, _ =	vpop (xrf1);
	(xrf1) =	vsort.dscd.msk.f32 $0xffff, v47, v28  }
0x8f: {  	v54 =	vperm.xlane v59, v52;
	[tilespmem:$0x1FE20] =	vst v5;
	(xrf1) =	vsort.dscd.msk.f32 $0xffff, v50, v2;
	v50, v5, _ =	vpop (xrf1)  }
0x90: {  	v20 =	vperm.xlane v20, v52;
	v43 =	vperm.xlane v58, v52;
	v15 =	vld [tilespmem:s16+$0xD0];
	v61, v62, _ =	vpop (xrf1);
	(xrf0) =	vmax.scan.msk.f32 $0xffff, v50  }
0x91: {  	v58 =	vperm.xlane v19, v52;
	v46 =	vperm.xlane v18, v52;
	v60 =	vld [tilespmem:s16+$0xE0];
	(xrf1) =	vsort.dscd.msk.f32 $0xffff, v53, v28;
	v19, v18, _ =	vpop (xrf1)  }
0x92: {  	v21 =	vperm.xlane v21, v52;
	v22 =	vperm.xlane v22, v52;
	v63 =	vld [tilespmem:s16+$0x110];
	(xrf1) =	vsort.dscd.msk.f32 $0xffff, v55, v2;
	v55, v6, _ =	vpop (xrf1)  }
0x93: {  	v59 =	vperm.xlane v16, v52;
	v23 =	vperm.xlane v23, v52;
	v53 =	vld [tilespmem:s16+$0x120];
	[tilespmem:$0x1FE30] =	vst v6  }
0x94: {  	v24 =	vperm.xlane v24, v52;
	v25 =	vperm.xlane v25, v52;
	(xrf0) =	vmax.scan.msk.f32 $0xffff, v55;
	v6 =	vld [tilespmem:s16+$0x150]  }
0x95: {  	v26 =	vperm.xlane v26, v52;
	v27 =	vperm.xlane v27, v52;
	v7 =	vld [tilespmem:s16+$0x160];
	(xrf1) =	vsort.dscd.msk.f32 $0xffff, v15, v28  }
0x96: {  	v0 =	vperm.xlane v0, v52;
	v29 =	vperm.xlane v29, v52;
	v47, v8, _ =	vpop (xrf1);
	(xrf1) =	vsort.dscd.msk.f32 $0xffff, v60, v2  }
0x97: {  	v30 =	vperm.xlane v30, v52;
	v31 =	vperm.xlane v31, v52;
	(xrf1) =	vsort.dscd.msk.f32 $0xffff, v63, v28;
	v12, _, _ =	vpop (xrf0)  }
0x98: {  	v32 =	vperm.xlane v32, v52;
	v43 =	vsel vm0, v45, v43;
	v13, v15, _ =	vpop (xrf1);
	(xrf1) =	vsort.dscd.msk.f32 $0xffff, v53, v2;
	v16 =	vbroadcast v12, $0xF  }
0x99: {  	v45 =	vsel vm0, v48, v54;
	v60 =	vld [tilespmem:s16+$0xFFFFFE00];
	v63, v9, _ =	vpop (xrf1);
	(xrf1) =	vsort.dscd.msk.f32 $0xffff, v6, v28;
	v6 =	vperm.xlane v39, v52  }
0x9a: {  	v3 =	vlaneseq.u32;
	v39 =	vsel vm0, v44, v1;
	v44, v1, _ =	vpop (xrf1);
	v48 =	vsub.f32 v50, v16;
	(xrf1) =	vsort.dscd.msk.f32 $0xffff, v7, v2;
	v7 =	vld [tilespmem:s16+$0xFFFFFE40]  }
0x9b: {  	v34 =	vperm.xlane v34, v52;
	v36 =	vperm.xlane v36, v52;
	v20 =	vsel vm0, v51, v20;
	v12, _, _ =	vpop (xrf0);
	v2 =	vld [tilespmem:s16+$0xFFFFFE80]  }
0x9c: {  	v21 =	vsel vm0, v56, v21;
	v22 =	vsel vm0, v57, v22;
	v42 =	vsel vm0, v42, v58;
	v58 =	vld [tilespmem:s16+$0xFFFFFEC0];
	v53, v54, _ =	vpop (xrf1)  }
0x9d: {  	v57 =	vld [tilespmem:s16+$0xFFFFFF00];
	v51 =	vbroadcast v12, $0xF;
	v12 =	vsel vm0, v8, v25;
	v50, v56, _ =	vpop (xrf1);
	v25 =	vmul.f32 $1.442695020e+00, v48  }
0x9e: {  	v59 =	vsel vm0, v61, v59;
	v24 =	vsel vm0, v47, v24;
	v16 =	vld [tilespmem:s16+$0xFFFFFF40];
	(xrf1) =	vsort.dscd.msk.f32 $0xffff, v60, v3;
	v60, v61, _ =	vpop (xrf1)  }
0x9f: {  	v26 =	vsel vm0, v63, v26;
	v63 =	vld [tilespmem:s16+$0xFFFFFF80];
	v51 =	vsub.f32 v55, v51;
	v47, v48, _ =	vpop (xrf1);
	(xrf1) =	vsort.dscd.msk.f32 $0xffff, v7, v3  }
0xa0: {  	v46 =	vsel vm0, v49, v46;
	v11 =	vsel vm0, v9, v27;
	v27 =	vld [tilespmem:s16+$0xFFFFFFC0];
	v7, v55, _ =	vpop (xrf1);
	(xrf1) =	vsort.dscd.msk.f32 $0xffff, v2, v3  }
0xa1: {  	v0 =	vsel vm0, v53, v0;
	v53 =	vld [tilespmem:s16+$0x0];
	(erf) = vpow2.f32 v25;
	v51 =	vmul.f32 $1.442695020e+00, v51;
	v25, v49, _ =	vpop (xrf1);
	(xrf1) =	vsort.dscd.msk.f32 $0xffff, v58, v3  }
0xa2: {  	v29 =	vsel vm0, v54, v29;
	v30 =	vsel vm0, v60, v30;
	v60 =	vld [tilespmem:s16+$0x40];
	v54, v58, _ =	vpop (xrf1);
	(xrf1) =	vsort.dscd.msk.f32 $0xffff, v57, v3  }
0xa3: {  	v31 =	vsel vm0, v61, v31;
	v32 =	vsel vm0, v7, v32;
	v7 =	vld [tilespmem:s16+$0x80];
	v57, v61, _ =	vpop (xrf1);
	(xrf1) =	vsort.dscd.msk.f32 $0xffff, v16, v3  }
0xa4: {  	v23 =	vsel vm0, v62, v23;
	v2 =	vld [tilespmem:s16+$0xC0];
	v16, v62, _ =	vpop (xrf1);
	(xrf1) =	vsort.dscd.msk.f32 $0xffff, v63, v3  }
0xa5: {  	v37 =	vperm.xlane v37, v52;
	v34 =	vsel vm0, v54, v34;
	v54, v63, _ =	vpop (xrf1);
	(xrf1) =	vsort.dscd.msk.f32 $0xffff, v27, v3  }
0xa6: {  	v35 =	vperm.xlane v35, v52;
	(erf) = vpow2.f32 v51;
	v27 =	vsel vm0, v16, v36;
	v36, v51, _ =	vpop (xrf1);
	(xrf1) =	vsort.dscd.msk.f32 $0xffff, v53, v3  }
0xa7: {  	v37 =	vsel vm0, v62, v37;
	v53, v62, _ =	vpop (xrf1);
	(xrf1) =	vsort.dscd.msk.f32 $0xffff, v60, v3  }
0xa8: {  	v35 =	vsel vm0, v58, v35;
	v58 =	vld [tilespmem:s16+$0x100];
	(xrf1) =	vsort.dscd.msk.f32 $0xffff, v7, v3  }
0xa9: {  	v38 =	vperm.xlane v38, v52;
	(xrf1) =	vsort.dscd.msk.f32 $0xffff, v2, v3;
	v2 =	vld [tilespmem:$0x1FDF0]  }
0xaa: {  	v40 =	vperm.xlane v40, v52  }
0xab: {  	v17 =	vperm.xlane v17, v52;
	v36 =	vsel vm0, v36, v38;
	v38 =	vld [tilespmem:s16+$0x140];
	v51 =	vsel vm0, v51, v6;
	v6, v16, _ =	vpop (xrf1)  }
0xac: {  	v41 =	vperm.xlane v41, v52;
	v40 =	vsel vm0, v6, v40;
	v6, v7, _ =	vpop (xrf1)  }
0xad: {  	v17 =	vsel vm0, v6, v17;
	v6 =	vpop (erf);
	(xrf1) =	vsort.dscd.msk.f32 $0xffff, v58, v3;
	v58 =	vld [tilespmem:$0x1FDD0]  }
0xae: {  	v41 =	vsel vm0, v16, v41;
	v16 =	vnsel vm0, $0x0, v6;
	v6 =	vperm.xlane v2, v52;
	v2 =	vld [tilespmem:$0x1FE00];
	_ =	sdelay $0x1  }
0xaf: {  	(xrf1) =	vsort.dscd.msk.f32 $0xffff, v38, v3  }
0xb0: {  	v38 =	vpop (erf);
	(xrf2) =	vadd.scan.msk.f32 $0xffff, v16  }
0xb1: {  	v33 =	vperm.xlane v33, v52;
	v60 =	vld [tilespmem:$0x1FDE0];
	v38 =	vnsel vm0, $0x0, v38  }
0xb2: {  	(xrf2) =	vadd.scan.msk.f32 $0xffff, v38;
	v58 =	vperm.xlane v58, v52;
	v8 =	vperm.xlane v2, v52;
	v2 =	vld [tilespmem:$0x1FE10]  }
0xb3: {  	(xrf1) =	vsort.dscd.msk.f32 $0xffff, v39, v43;
	v39, v43, _ =	vpop (xrf1)  }
0xb4: {  	v33 =	vsel vm0, v55, v33;
	v55 =	vld [tilespmem:$0x1FDC0];
	(xrf1) =	vsort.dscd.msk.f32 $0xffff, v45, v46;
	v45, v46, _ =	vpop (xrf1)  }
0xb5: {  	v14 =	vperm.xlane v14, v52;
	v19 =	vperm.xlane v19, v52;
	(xrf1) =	vsort.dscd.msk.f32 $0xffff, v42, v20;
	v20, v42, _ =	vpop (xrf1)  }
0xb6: {  	v18 =	vperm.xlane v18, v52;
	v60 =	vperm.xlane v60, v52;
	(xrf1) =	vsort.dscd.msk.f32 $0xffff, v21, v22;
	v21, v22, _ =	vpop (xrf1)  }
0xb7: {  	(xrf1) =	vsort.dscd.msk.f32 $0xffff, v59, v23;
	v39 =	vsel vm0, v39, v58;
	v23, v58, _ =	vpop (xrf1);
	v9 =	vperm.xlane v2, v52;
	v2 =	vld [tilespmem:$0x1FE20]  }
0xb8: {  	v13 =	vperm.xlane v13, v52;
	v15 =	vperm.xlane v15, v52;
	(xrf1) =	vsort.dscd.msk.f32 $0xffff, v24, v12;
	v12, v24, _ =	vpop (xrf1)  }
0xb9: {  	v56 =	vperm.xlane v56, v52;
	v55 =	vperm.xlane v55, v52;
	(xrf1) =	vsort.dscd.msk.f32 $0xffff, v26, v11;
	v11, v26, _ =	vpop (xrf1)  }
0xba: {  	v25 =	vperm.xlane v25, v52;
	v57 =	vperm.xlane v57, v52;
	v43 =	vsel vm0, v43, v60;
	v60, _, _ =	vpop (xrf2)  }
0xbb: {  	v55 =	vsel vm0, v7, v55;
	v7 =	vperm.xlane v10, v52;
	(xrf1) =	vsort.dscd.msk.f32 $0xffff, v0, v29;
	v0, v29, _ =	vpop (xrf1)  }
0xbc: {  	v8 =	vsel vm0, v20, v8;
	(xrf1) =	vsort.dscd.msk.f32 $0xffff, v30, v31;
	v20, _, _ =	vpop (xrf2);
	v10 =	vperm.xlane v2, v52  }
0xbd: {  	v7 =	vsel vm0, v46, v7;
	v6 =	vsel vm0, v45, v6;
	v45, v46, _ =	vpop (xrf1);
	(xrf1) =	vsort.dscd.msk.f32 $0xffff, v32, v33  }
0xbe: {  	v14 =	vsel vm0, v21, v14;
	v10 =	vsel vm0, v22, v10;
	v21, v22, _ =	vpop (xrf1);
	(xrf1) =	vsort.dscd.msk.f32 $0xffff, v34, v35  }
0xbf: {  	v59 =	vperm.xlane v61, v52;
	v19 =	vsel vm0, v23, v19;
	v23, v30, _ =	vpop (xrf1);
	(xrf1) =	vsort.dscd.msk.f32 $0xffff, v27, v37  }
0xc0: {  	v61 =	vperm.xlane v63, v52;
	v63 =	vsel vm0, v24, v15;
	v15, v24, _ =	vpop (xrf1);
	(xrf1) =	vsort.dscd.msk.f32 $0xffff, v36, v51  }
0xc1: {  	v44 =	vperm.xlane v44, v52;
	v1 =	vperm.xlane v1, v52;
	v27, v31, _ =	vpop (xrf1);
	(xrf1) =	vsort.dscd.msk.f32 $0xffff, v40, v41  }
0xc2: {  	v50 =	vperm.xlane v50, v52;
	v9 =	vsel vm0, v42, v9;
	v32, v33, _ =	vpop (xrf1);
	(xrf1) =	vsort.dscd.msk.f32 $0xffff, v17, v55  }
0xc3: {  	v47 =	vperm.xlane v47, v52;
	v48 =	vperm.xlane v48, v52;
	v21 =	vsel vm0, v21, v25;
	v25, v51, _ =	vpop (xrf1)  }
0xc4: {  	v29 =	vsel vm0, v29, v56;
	v23 =	vsel vm0, v23, v57;
	v56, v57, _ =	vpop (xrf1);
	(xrf1) =	vsort.dscd.msk.f32 $0xffff, v39, v43  }
0xc5: {  	v18 =	vsel vm0, v58, v18;
	v30 =	vsel vm0, v30, v59;
	v59, v58, _ =	vpop (xrf1);
	(xrf1) =	vsort.dscd.msk.f32 $0xffff, v6, v7  }
0xc6: {  	v12 =	vsel vm0, v12, v13;
	v26 =	vsel vm0, v26, v1;
	(xrf1) =	vsort.dscd.msk.f32 $0xffff, v8, v9;
	v8, v9, _ =	vpop (xrf1)  }
0xc7: {  	v49 =	vperm.xlane v49, v52;
	v11 =	vsel vm0, v11, v44;
	(xrf1) =	vsort.dscd.msk.f32 $0xffff, v14, v10;
	v10, v14, _ =	vpop (xrf1)  }
0xc8: {  	v54 =	vperm.xlane v54, v52;
	v0 =	vsel vm0, v0, v50;
	(xrf1) =	vsort.dscd.msk.f32 $0xffff, v19, v18;
	v18, v19, _ =	vpop (xrf1)  }
0xc9: {  	v53 =	vperm.xlane v53, v52;
	v22 =	vsel vm0, v22, v49;
	v55 =	vbroadcast v60, $0xF;
	(xrf1) =	vsort.dscd.msk.f32 $0xffff, v12, v63;
	v12, v13, _ =	vpop (xrf1)  }
0xca: {  	v62 =	vperm.xlane v62, v52;
	v20 =	vbroadcast v20, $0xF;
	v47 =	vsel vm0, v45, v47;
	(xrf1) =	vsort.dscd.msk.f32 $0xffff, v11, v26;
	v11, v26, _ =	vpop (xrf1)  }
0xcb: {  	v50 =	vsel vm0, v46, v48;
	v15 =	vsel vm0, v15, v54;
	(erf) = vrcp.f32 v55;
	(xrf1) =	vsort.dscd.msk.f32 $0xffff, v0, v29;
	v0, v29, _ =	vpop (xrf1)  }
0xcc: {  	v6 =	vsel vm0, v24, v61;
	(erf) = vrcp.f32 v20;
	v20 =	vsel vm0, v31, v62;
	(xrf1) =	vsort.dscd.msk.f32 $0xffff, v47, v50;
	v17, v34, _ =	vpop (xrf1)  }
0xcd: {  	v7 =	vsel vm0, v27, v53;
	(xrf1) =	vsort.dscd.msk.f32 $0xffff, v21, v22;
	v21, v22, _ =	vpop (xrf1)  }
0xce: {  	(xrf1) =	vsort.dscd.msk.f32 $0xffff, v23, v30;
	v23, v30, _ =	vpop (xrf1)  }
0xcf: {  	v27 =	vperm.xlane v33, v52;
	(xrf1) =	vsort.dscd.msk.f32 $0xffff, v15, v6;
	v6, v15, _ =	vpop (xrf1)  }
0xd0: {  	v25 =	vperm.xlane v25, v52;
	v24 =	vperm.xlane v32, v52;
	(xrf1) =	vsort.dscd.msk.f32 $0xffff, v7, v20;
	v7, v20, _ =	vpop (xrf1)  }
0xd1: {  	v31 =	vperm.xlane v51, v52;
	v60 =	vperm.xlane v56, v52;
	v20 =	vsel vm0, v20, v27  }
0xd2: {  	v61 =	vperm.xlane v57, v52;
	v62 =	vperm.xlane v59, v52;
	v7 =	vsel vm0, v7, v24;
	v42, v2, _ =	vpop (xrf1)  }
0xd3: {  	v8 =	vperm.xlane v8, v52;
	v9 =	vperm.xlane v9, v52;
	v31 =	vsel vm0, v2, v31  }
0xd4: {  	v10 =	vperm.xlane v10, v52;
	v63 =	vperm.xlane v58, v52;
	v27, v43, _ =	vpop (xrf1);
	v25 =	vsel vm0, v42, v25  }
0xd5: {  	v14 =	vperm.xlane v14, v52;
	(xrf1) =	vsort.dscd.msk.f32 $0xffff, v7, v20;
	v27 =	vsel vm0, v27, v60;
	v7, v20, _ =	vpop (xrf1)  }
0xd6: {  	v18 =	vperm.xlane v18, v52;
	v19 =	vperm.xlane v19, v52;
	v20 =	vsel vm0, v20, v63  }
0xd7: {  	v12 =	vperm.xlane v12, v52;
	v44 =	vsel vm0, v43, v61;
	(xrf1) =	vsort.dscd.msk.f32 $0xffff, v25, v31;
	v25, v31, _ =	vpop (xrf1)  }
0xd8: {  	v7 =	vsel vm0, v7, v62;
	(xrf1) =	vsort.dscd.msk.f32 $0xffff, v27, v44;
	v27, v32, _ =	vpop (xrf1);
	v8 =	vsel vm0, v25, v8  }
0xd9: {  	v9 =	vsel vm0, v31, v9;
	(xrf1) =	vsort.dscd.msk.f32 $0xffff, v7, v20;
	v7 =	vsel vm0, v27, v10  }
0xda: {  	v13 =	vperm.xlane v13, v52;
	v14 =	vsel vm0, v32, v14;
	v10, v20, _ =	vpop (xrf1);
	(xrf1) =	vsort.dscd.msk.f32 $0xffff, v8, v9  }
0xdb: {  	v8 =	vsel vm0, v10, v18;
	v9 =	vsel vm0, v20, v19;
	v10, v18, _ =	vpop (xrf1);
	(xrf1) =	vsort.dscd.msk.f32 $0xffff, v7, v14  }
0xdc: {  	v11 =	vperm.xlane v11, v52;
	v26 =	vperm.xlane v26, v52;
	v7 =	vpop (erf);
	(xrf1) =	vsort.dscd.msk.f32 $0xffff, v8, v9  }
0xdd: {  	v17 =	vperm.xlane v17, v52;
	v10 =	vsel vm0, v10, v12;
	v45 =	vsel vm0, v18, v13;
	v48, v47, _ =	vpop (xrf1)  }
0xde: {  	v0 =	vperm.xlane v0, v52;
	v29 =	vperm.xlane v29, v52;
	(xrf1) =	vsort.dscd.msk.f32 $0xffff, v10, v45;
	v51, v50, _ =	vpop (xrf1)  }
0xdf: {  	v24 =	vperm.xlane v34, v52;
	v11 =	vsel vm0, v48, v11;
	v49 =	vsel vm0, v47, v26;
	v19, v20, _ =	vpop (xrf1)  }
0xe0: {  	v8 =	vpop (erf);
	v14 =	vsel vm0, v51, v0;
	v18 =	vsel vm0, v50, v29;
	(xrf1) =	vsort.dscd.msk.f32 $0xffff, v11, v49  }
0xe1: {  	v11 =	vsel vm0, v19, v17;
	(xrf1) =	vsort.dscd.msk.f32 $0xffff, v14, v18;
	v17, v19, _ =	vpop (xrf1)  }
0xe2: {  	v21 =	vperm.xlane v21, v52;
	v46 =	vperm.xlane v23, v52;
	v53 =	vsel vm0, v20, v24;
	v56, v55, _ =	vpop (xrf1)  }
0xe3: {  	v6 =	vperm.xlane v6, v52;
	v9 =	vperm.xlane v22, v52;
	(xrf1) =	vsort.dscd.msk.f32 $0xffff, v11, v53;
	v57, v58, _ =	vpop (xrf1)  }
0xe4: {  	v15 =	vperm.xlane v15, v52;
	v10 =	vperm.xlane v30, v52;
	v59, v49, _ =	vpop (xrf1)  }
0xe5: {  	s21 =	simm.s32 $0x80;
	s19 =	simm.s32 $0x180;
	s30 =	simm.s32 $0x200;
	v26 =	vmov v5;
	v54 =	vsel vm0, v17, v21;
	v9 =	vsel vm0, v19, v9;
	v44, v50, _ =	vpop (xrf1);
	(xrf0) =	vmax.scan.msk.f32 $0xffff, v59  }
0xe6: {  	v45 =	vor.u32 s21, v3;
	v47 =	vor.u32 s19, v3;
	v48 =	vor.u32 s30, v3;
	(xrf1) =	vsort.dscd.msk.f32 $0xffff, v54, v9;
	v30, v33, _ =	vpop (xrf1)  }
0xe7: {  	s17 =	simm.s32 $0x280;
	s22 =	simm.s32 $0x0;
	v62 =	vld [tilespmem:$0x1FE30];
	[tilespmem:$0x1FE70] =	vst v48;
	v11 =	vsel vm0, v56, v46;
	v10 =	vsel vm0, v55, v10;
	(xrf0) =	vmax.scan.msk.f32 $0xffff, v44;
	v35, v34, _ =	vpop (xrf1)  }
0xe8: {  	s29 =	simm.s32 $0x380;
	s31 =	simm.s32 $0x300;
	v51 =	vor.u32 s17, v3;
	v48 =	vor.u32 s22, v3;
	v20 =	vmul.f32 v8, v38;
	(xrf1) =	vsort.dscd.msk.f32 $0xffff, v11, v10;
	v36, v31, _ =	vpop (xrf1)  }
0xe9: {  	[tilespmem:$0x1FE40] =	vst v45;
	v53 =	vor.u32 s31, v3;
	v19 =	vor.u32 s29, v3;
	v21 =	vmul.f32 v7, v16;
	v37, v32, _ =	vpop (xrf1)  }
0xea: {  	s20 =	simm.s32 $0x100;
	v6 =	vsel vm0, v57, v6;
	v9 =	vsel vm0, v58, v15;
	v10 =	vand.u32 $0xFFFFFF80, v5;
	(xrf0) =	vmax.scan.msk.f32 $0xffff, v30;
	v16, v27, _ =	vpop (xrf1)  }
0xeb: {  	v46 =	vor.u32 s20, v3;
	(xrf1) =	vsort.dscd.msk.f32 $0xffff, v6, v9;
	v6 =	vand.u32 $0x7F, v5;
	v9 =	vadd.s32 s29, v10;
	v7, _, _ =	vpop (xrf0)  }
0xec: {  	v10 =	vand.u32 $0xFFFFFF80, v62;
	v8 =	vand.u32 $0x7F, v49;
	v17 =	vor.u32 v6, v9;
	(xrf0) =	vmax.scan.msk.f32 $0xffff, v35;
	v38, v25, _ =	vpop (xrf1)  }
0xed: {  	v6 =	vand.u32 $0x7F, v62;
	v9 =	vadd.s32 s29, v10;
	v10 =	vand.u32 $0x7F, v50;
	(xrf0) =	vmax.scan.msk.f32 $0xffff, v36;
	v54, _, _ =	vpop (xrf0)  }
0xee: {  	[tilespmem:$0x1FE60] =	vst v47;
	v18 =	vor.u32 v6, v9;
	v6 =	vand.u32 $0xFFFFFF80, v49;
	v7 =	vbroadcast v7, $0xF;
	v39, v13, _ =	vpop (xrf1)  }
0xef: {  	v22 =	vand.u32 $0x7F, v33;
	v9 =	vadd.s32 s22, v6;
	v6 =	vand.u32 $0xFFFFFF80, v50;
	(xrf0) =	vmax.scan.msk.f32 $0xffff, v37;
	v40, v14, _ =	vpop (xrf1)  }
0xf0: {  	[tilespmem:$0x1FE80] =	vst v51;
	v57 =	vand.u32 $0xFFFFFF80, v31;
	v24 =	vbroadcast v54, $0xF;
	v7 =	vsub.f32 v59, v7;
	v59, _, _ =	vpop (xrf0)  }
0xf1: {  	v55 =	vand.u32 $0xFFFFFF80, v34;
	v11 =	vadd.s32 s22, v6;
	v6 =	vand.u32 $0xFFFFFF80, v33;
	(xrf0) =	vmax.scan.msk.f32 $0xffff, v16;
	v41, v3, _ =	vpop (xrf1)  }
0xf2: {  	v29 =	vadd.s32 s21, v55;
	v8 =	vor.u32 v8, v9;
	(xrf0) =	vmax.scan.msk.f32 $0xffff, v38;
	v15 =	vsub.f32 v44, v24;
	v61, _, _ =	vpop (xrf0)  }
0xf3: {  	[tilespmem:$0x1FE90] =	vst v53;
	v51 =	vadd.s32 s20, v57;
	v58 =	vand.u32 $0xFFFFFF80, v32;
	v56 =	vmul.f32 $1.442695020e+00, v7;
	v57, _, _ =	vpop (xrf0)  }
0xf4: {  	v60 =	vand.u32 $0xFFFFFF80, v27;
	(xrf0) =	vmax.scan.msk.f32 $0xffff, v39;
	v45 =	vbroadcast v59, $0xF;
	v12, v5, _ =	vpop (xrf1);
	v15 =	vmul.f32 $1.442695020e+00, v15  }
0xf5: {  	v53 =	vadd.s32 s19, v60;
	(xrf0) =	vmax.scan.msk.f32 $0xffff, v40;
	v63 =	vbroadcast v61, $0xF;
	v59, _, _ =	vpop (xrf0);
	(erf) = vpow2.f32 v56  }
0xf6: {  	(xrf0) =	vmax.scan.msk.f32 $0xffff, v41;
	v30 =	vsub.f32 v30, v45;
	v47 =	vbroadcast v57, $0xF;
	v44, v0, _ =	vpop (xrf1);
	(erf) = vpow2.f32 v15  }
0xf7: {  	v60 =	vbroadcast v59, $0xF;
	v61, _, _ =	vpop (xrf0);
	(xrf0) =	vmax.scan.msk.f32 $0xffff, v12;
	v15 =	vadd.s32 s20, v58;
	v58 =	vand.u32 $0xFFFFFF80, v25  }
0xf8: {  	v35 =	vsub.f32 v35, v63;
	v30 =	vmul.f32 $1.442695020e+00, v30;
	v63 =	vbroadcast v61, $0xF;
	v55, _, _ =	vpop (xrf0)  }
0xf9: {  	[tilespmem:$0x1FE50] =	vst v46;
	v46, v1, _ =	vpop (xrf1);
	v36 =	vsub.f32 v36, v47;
	v37 =	vsub.f32 v37, v60;
	v57 =	vbroadcast v55, $0xF  }
0xfa: {  	v56 =	vadd.s32 s19, v58;
	v35 =	vmul.f32 $1.442695020e+00, v35;
	(erf) = vpow2.f32 v30;
	v58, _, _ =	vpop (xrf0);
	(xrf0) =	vmax.scan.msk.f32 $0xffff, v44  }
0xfb: {  	v16 =	vsub.f32 v16, v63;
	v36 =	vmul.f32 $1.442695020e+00, v36;
	v37 =	vmul.f32 $1.442695020e+00, v37;
	v59, _, _ =	vpop (xrf0);
	(xrf0) =	vmax.scan.msk.f32 $0xffff, v46  }
0xfc: {  	v38 =	vsub.f32 v38, v57;
	(erf) = vpow2.f32 v35;
	v47 =	vbroadcast v58, $0xF;
	v63, _, _ =	vpop (xrf0)  }
0xfd: {  	v6 =	vadd.s32 s21, v6;
	(erf) = vpow2.f32 v36;
	v16 =	vmul.f32 $1.442695020e+00, v16;
	v57, _, _ =	vpop (xrf0)  }
0xfe: {  	v30 =	vand.u32 $0xFFFFFF80, v13;
	v45 =	vbroadcast v59, $0xF;
	v38 =	vmul.f32 $1.442695020e+00, v38;
	v60 =	vpop (erf)  }
0xff: {  	(erf) = vpow2.f32 v37;
	v39 =	vsub.f32 v39, v47;
	v36 =	vbroadcast v63, $0xF;
	v61 =	vpop (erf)  }
0x100: {  	(erf) = vpow2.f32 v16;
	v16 =	vadd.s32 s30, v30;
	v35 =	vnsel vm0, $0x0, v60;
	v58, _, _ =	vpop (xrf0)  }
0x101: {  	v40 =	vsub.f32 v40, v45;
	v43 =	vbroadcast v57, $0xF;
	v39 =	vmul.f32 $1.442695020e+00, v39;
	(xrf2) =	vadd.scan.msk.f32 $0xffff, v35;
	v59, _, _ =	vpop (xrf0)  }
0x102: {  	v36 =	vsub.f32 v41, v36;
	v55 =	vnsel vm0, $0x0, v61;
	v63 =	vbroadcast v59, $0xF  }
0x103: {  	(erf) = vpow2.f32 v38;
	v12 =	vsub.f32 v12, v43;
	v37 =	vbroadcast v58, $0xF;
	(xrf2) =	vadd.scan.msk.f32 $0xffff, v55  }
0x104: {  	v60 =	vmul.f32 $1.442695020e+00, v40;
	v36 =	vmul.f32 $1.442695020e+00, v36;
	v30 =	vsub.f32 v46, v63  }
0x105: {  	v61 =	vpop (erf);
	(erf) = vpow2.f32 v39;
	v12 =	vmul.f32 $1.442695020e+00, v12;
	v37 =	vsub.f32 v44, v37  }
0x106: {  	v10 =	vor.u32 v10, v11;
	(erf) = vpow2.f32 v60;
	v30 =	vmul.f32 $1.442695020e+00, v30  }
0x107: {  	v45 =	vnsel vm0, $0x0, v61;
	(erf) = vpow2.f32 v36;
	v37 =	vmul.f32 $1.442695020e+00, v37  }
0x108: {  	v42 =	vand.u32 $0x7F, v32;
	v54 =	vand.u32 $0x7F, v25;
	v47 =	vpop (erf);
	(xrf2) =	vadd.scan.msk.f32 $0xffff, v45;
	(erf) = vpow2.f32 v12  }
0x109: {  	[tilespmem:$0x1FEA0] =	vst v13;
	v24 =	vand.u32 $0x7F, v34;
	v7 =	vand.u32 $0x7F, v31;
	v43 =	vpop (erf);
	(erf) = vpow2.f32 v37  }
0x10a: {  	[tilespmem:$0x1FEB0] =	vst v14;
	v11 =	vand.u32 $0x7F, v5;
	v63 =	vand.u32 $0xFFFFFF80, v14;
	(erf) = vpow2.f32 v30;
	v30 =	vpop (erf)  }
0x10b: {  	[tilespmem:$0x1FEC0] =	vst v3;
	v23 =	vor.u32 v54, v56;
	v57 =	vand.u32 $0x7F, v13;
	v13 =	vand.u32 $0xFFFFFF80, v3;
	v61, _, _ =	vpop (xrf2)  }
0x10c: {  	[tilespmem:$0x1FED0] =	vst v5;
	v38 =	vor.u32 v22, v6;
	v60 =	vand.u32 $0x7F, v3;
	v3 =	vpop (erf);
	v12 =	vbroadcast v61, $0xF  }
0x10d: {  	[tilespmem:$0x1FEF0] =	vst v0;
	v59 =	vadd.s32 s30, v63;
	v63, _, _ =	vpop (xrf2);
	v44 =	vnsel vm0, $0x0, v3;
	v3 =	vor.u32 v7, v51  }
0x10e: {  	v56 =	vor.u32 v57, v16;
	v37 =	vbroadcast v63, $0xF;
	[tilespmem:$0x1FEE0] =	vst v3;
	(erf) = vrcp.f32 v12  }
0x10f: {  	v58 =	vand.u32 $0x7F, v14;
	v39 =	vor.u32 v24, v29;
	v47 =	vnsel vm0, $0x0, v47;
	v61 =	vpop (erf);
	[tilespmem:v17+s9+$0x0] =	vst.idx.msk $0xff, v21  }
0x110: {  	v14 =	vand.u32 $0xFFFFFF80, v5;
	v59 =	vor.u32 v58, v59;
	v9 =	vpop (erf);
	(erf) = vrcp.f32 v37;
	[tilespmem:$0x1FF00] =	vst v56  }
0x111: {  	v46 =	vnsel vm0, $0x0, v43;
	(xrf2) =	vadd.scan.msk.f32 $0xffff, v47;
	v12 =	vadd.s32 s17, v13;
	v22 =	vpop (erf);
	[tilespmem:$0x1FF10] =	vst v59  }
0x112: {  	v6 =	vadd.s32 s17, v14;
	(xrf2) =	vadd.scan.msk.f32 $0xffff, v46;
	v24, _, _ =	vpop (xrf2);
	v60 =	vor.u32 v60, v12;
	[tilespmem:v18+s10+$0x0] =	vst.idx.msk $0xff, v20  }
0x113: {  	v41 =	vor.u32 v42, v15;
	v57 =	vand.u32 $0xFFFFFF80, v1;
	v14 =	vor.u32 v11, v6;
	v7 =	vpop (erf);
	[tilespmem:$0x1FF20] =	vst v60  }
0x114: {  	v43 =	vnsel vm0, $0x0, v30;
	v63 =	vbroadcast v24, $0xF;
	v24 =	vand.u32 $0xFFFFFF80, v0;
	v51 =	vpop (erf);
	[tilespmem:$0x1FF30] =	vst v1  }
0x115: {  	v30 =	vand.u32 $0x7F, v0;
	(xrf2) =	vadd.scan.msk.f32 $0xffff, v43;
	v54 =	vadd.s32 s31, v24;
	v15 =	vpop (erf);
	[tilespmem:$0x1FF40] =	vst v14  }
0x116: {  	v11 =	vadd.s32 s31, v57;
	v18 =	vor.u32 v30, v54;
	v17 =	vpop (erf);
	[tilespmem:v19+s11+$0x0] =	vst.idx.msk $0xff, v26  }
0x117: {  	(xrf2) =	vadd.scan.msk.f32 $0xffff, v44;
	(erf) = vrcp.f32 v63;
	v63 =	vand.u32 $0x7F, v1;
	[tilespmem:$0x1FF50] =	vst v18;
	v6 =	vpop (erf)  }
0x118: {  	v2 =	vand.u32 $0x7F, v27;
	s17 =	simm.s32 $0x600;
	v54 =	vor.u32 v63, v11;
	[tilespmem:v19+s12+$0x0] =	vst.idx.msk $0xff, v62;
	v6 =	vmul.f32 v6, v35  }
0x119: {  	v37 =	vor.u32 v2, v53;
	v36 =	vld [tilespmem:s17+$0x190];
	[tilespmem:$0x1FF60] =	vst v54;
	v53 =	vpop (erf)  }
0x11a: {  	v57 =	vnsel vm0, $0x0, v9;
	v56 =	vld [tilespmem:s17+$0x1B0];
	v55 =	vmul.f32 v53, v55;
	[tilespmem:v8+s9+$0x0] =	vst.idx.msk $0xff, v6  }
0x11b: {  	v11, _, _ =	vpop (xrf2);
	v6 =	vld [tilespmem:s17+$0x1A0];
	[tilespmem:$0x1FF70] =	vst v57  }
0x11c: {  	v42 =	vnsel vm0, $0x0, v61;
	v59 =	vnsel vm0, $0x0, v7;
	v8, _, _ =	vpop (xrf2);
	[tilespmem:v10+s10+$0x0] =	vst.idx.msk $0xff, v55  }
0x11d: {  	v58 =	vnsel vm0, $0x0, v22;
	v9 =	vbroadcast v11, $0xF;
	v11 =	vbroadcast v8, $0xF;
	v8 =	vld [tilespmem:s17+$0x1D0];
	[tilespmem:$0x1FF80] =	vst v59  }
0x11e: {  	(xrf2) =	vadd.scan.msk.f32 $0xffff, v42;
	v61 =	vnsel vm0, $0x0, v51;
	v7 =	vld [tilespmem:s17+$0x1F0];
	[tilespmem:$0x1FF90] =	vst v58  }
0x11f: {  	v63 =	vnsel vm0, $0x0, v17;
	v62 =	vnsel vm0, $0x0, v15;
	(xrf1) =	vsort.dscd.msk.f32 $0xffff, v36, v28;
	v10, _, _ =	vpop (xrf2);
	[tilespmem:$0x1FFA0] =	vst v61  }
0x120: {  	(erf) = vrcp.f32 v9;
	(xrf2) =	vadd.scan.msk.f32 $0xffff, v57;
	v60 =	vbroadcast v10, $0xF;
	[tilespmem:$0x1FFB0] =	vst v62  }
0x121: {  	(xrf2) =	vadd.scan.msk.f32 $0xffff, v58;
	(erf) = vrcp.f32 v11;
	v9 =	vld [tilespmem:s17+$0x180];
	v11, _, _ =	vpop (xrf2);
	[tilespmem:$0x1FFC0] =	vst v63  }
0x122: {  	s18 =	simm.s32 $0x10;
	s16 =	simm.s32 $0x8;
	v51 =	vpop (erf);
	(xrf1) =	vsort.dscd.msk.f32 $0xffff, v56, v4;
	(erf) = vrcp.f32 v60;
	v10 =	vld [tilespmem:s17+$0x1E0];
	v11 =	vbroadcast v11, $0xF  }
.LBB2_5:
0x123: {  	v2 =	vld [tilespmem:$0x1FFF0];
	_ =	sdelay $0x4  }
0x124: {  	(xrf1) =	vsort.dscd.msk.f32 $0xffff, v6, v2  }
0x125: {  	v12 =	vld [tilespmem:s17+$0xFFFFFE30];
	(xrf1) =	vsort.dscd.msk.f32 $0xffff, v8, v28  }
0x126: {  	[tilespmem:v48+s11+$0x0] =	vst.idx.msk $0xff, v49;
	v0 =	vmul.f32 v51, v45;
	v15 =	vld [tilespmem:s17+$0x1C0];
	v19 =	vlaneseq.u32;
	v6 =	vpop (erf);
	(xrf1) =	vsort.dscd.msk.f32 $0xffff, v7, v4  }
0x127: {  	v16 =	vld [tilespmem:s17+$0xFFFFFF30];
	[tilespmem:v48+s12+$0x0] =	vst.idx.msk $0xff, v50;
	v8, _, _ =	vpop (xrf2);
	(xrf1) =	vsort.dscd.msk.f32 $0xffff, v9, v19  }
0x128: {  	(erf) = vrcp.f32 v11;
	v11 =	vld [tilespmem:s17+$0xFFFFFE70];
	[tilespmem:v38+s9+$0x0] =	vst.idx.msk $0xff, v0;
	v1 =	vmul.f32 v6, v47;
	(xrf1) =	vsort.dscd.msk.f32 $0xffff, v10, v2;
	v10, _, _ =	vpop (xrf2)  }
0x129: {  	v7 =	vbroadcast v8, $0xF;
	v8 =	vld [tilespmem:s17+$0xFFFFFEB0];
	v50 =	vbroadcast v10, $0xF  }
0x12a: {  	v9 =	vld [tilespmem:s17+$0xFFFFFEF0];
	[tilespmem:v39+s10+$0x0] =	vst.idx.msk $0xff, v1;
	(xrf1) =	vsort.dscd.msk.f32 $0xffff, v12, v4  }
0x12b: {  	v6 =	vpop (erf);
	v10 =	vld [tilespmem:s17+$0xFFFFFF70];
	(xrf1) =	vsort.dscd.msk.f32 $0xffff, v15, v19;
	[tilespmem:$0x1FD30] =	vst v50  }
0x12c: {  	v0 =	vld [tilespmem:$0x1FE40]  }
0x12d: {  	v55 =	vld [tilespmem:$0x1FEE0];
	_ =	sdelay $0x3  }
0x12e: {  	v51 =	vmul.f32 v6, v46;
	v53 =	vld [tilespmem:s17+$0xFFFFFFB0];
	(xrf1) =	vsort.dscd.msk.f32 $0xffff, v11, v4;
	v6 =	vpop (erf)  }
0x12f: {  	v54 =	vld [tilespmem:s17+$0xFFFFFFF0];
	(xrf1) =	vsort.dscd.msk.f32 $0xffff, v8, v4;
	v6 =	vmul.f32 v6, v43  }
0x130: {  	v11, _, _ =	vpop (xrf2);
	v8 =	vld [tilespmem:s17+$0x30];
	(xrf1) =	vsort.dscd.msk.f32 $0xffff, v9, v4  }
0x131: {  	v56 =	vbroadcast v11, $0xF;
	v11 =	vpop (erf);
	v9 =	vld [tilespmem:s17+$0x70];
	(xrf1) =	vsort.dscd.msk.f32 $0xffff, v16, v4  }
0x132: {  	(xrf1) =	vsort.dscd.msk.f32 $0xffff, v10, v4;
	[tilespmem:v55+s9+$0x0] =	vst.idx.msk $0xff, v51  }
0x133: {  	v43 =	vmul.f32 v11, v44;
	(xrf1) =	vsort.dscd.msk.f32 $0xffff, v53, v4;
	[tilespmem:v41+s10+$0x0] =	vst.idx.msk $0xff, v6;
	v6, v11, _ =	vpop (xrf1)  }
0x134: {  	v57 =	vld [tilespmem:$0x1FE50];
	(xrf1) =	vsort.dscd.msk.f32 $0xffff, v54, v4;
	v58, v17, _ =	vpop (xrf1)  }
0x135: {  	[tilespmem:v0+s11+$0x0] =	vst.idx.msk $0xff, v33;
	(xrf1) =	vsort.dscd.msk.f32 $0xffff, v8, v4;
	v15 =	vperm.xlane v58, v52;
	v8, v18, _ =	vpop (xrf1)  }
0x136: {  	[tilespmem:v0+s12+$0x0] =	vst.idx.msk $0xff, v34;
	v59 =	vperm.xlane v17, v52;
	(xrf1) =	vsort.dscd.msk.f32 $0xffff, v9, v4;
	v9, v60, _ =	vpop (xrf1)  }
0x137: {  	v12 =	vld [tilespmem:s17+$0x130];
	v6 =	vperm.xlane v6, v52;
	v11 =	vperm.xlane v11, v52;
	v8 =	vsel vm0, v8, v15;
	v61, v62, _ =	vpop (xrf1)  }
0x138: {  	v16 =	vld [tilespmem:s17+$0xB0];
	v0 =	vsel vm0, v18, v59;
	v63 =	vperm.xlane v61, v52;
	v18 =	vperm.xlane v62, v52;
	v36, v40, _ =	vpop (xrf1)  }
0x139: {  	v26 =	vld [tilespmem:s17+$0x170];
	(xrf1) =	vsort.dscd.msk.f32 $0xffff, v8, v0;
	v48 =	vsel vm0, v40, v11;
	v11 =	vperm.xlane v60, v52  }
0x13a: {  	v10 =	vld [tilespmem:s17+$0xF0];
	v9 =	vperm.xlane v9, v52;
	v6 =	vsel vm0, v36, v6;
	v49, v50, _ =	vpop (xrf1)  }
0x13b: {  	v38 =	vld [tilespmem:s17+$0xFFFFFE50];
	v1 =	vsel vm0, v49, v63;
	v18 =	vsel vm0, v50, v18;
	v51, v53, _ =	vpop (xrf1);
	(xrf1) =	vsort.dscd.msk.f32 $0xffff, v6, v48  }
0x13c: {  	v24 =	vld [tilespmem:s17+$0xFFFFFFE0];
	(erf) = vrcp.f32 v7;
	[tilespmem:v57+s11+$0x0] =	vst.idx.msk $0xff, v31;
	v8, v54, _ =	vpop (xrf1);
	(xrf1) =	vsort.dscd.msk.f32 $0xffff, v1, v18  }
0x13d: {  	[tilespmem:$0x1FD90] =	vst v56;
	v31 =	vld [tilespmem:s17+$0xFFFFFE10];
	v8 =	vsel vm0, v8, v9;
	v55 =	vsel vm0, v54, v11;
	v11, v56, _ =	vpop (xrf1);
	(xrf1) =	vsort.dscd.msk.f32 $0xffff, v16, v4  }
0x13e: {  	v34 =	vld [tilespmem:s17+$0xFFFFFE20];
	[tilespmem:v57+s12+$0x0] =	vst.idx.msk $0xff, v32;
	v18 =	vperm.xlane v11, v52;
	v11, v57, _ =	vpop (xrf1);
	(xrf1) =	vsort.dscd.msk.f32 $0xffff, v8, v55  }
0x13f: {  	v44 =	vld [tilespmem:s17+$0xFFFFFE60];
	v17 =	vperm.xlane v53, v52;
	v33 =	vperm.xlane v56, v52;
	v9, v58, _ =	vpop (xrf1);
	(xrf1) =	vsort.dscd.msk.f32 $0xffff, v10, v4  }
0x140: {  	v46 =	vld [tilespmem:s17+$0xFFFFFE90];
	v8 =	vperm.xlane v11, v52;
	v11 =	vperm.xlane v9, v52;
	v9, v10, _ =	vpop (xrf1);
	(xrf1) =	vsort.dscd.msk.f32 $0xffff, v12, v4  }
0x141: {  	v47 =	vld [tilespmem:s17+$0xFFFFFED0];
	v53 =	vperm.xlane v9, v52;
	v56 =	vperm.xlane v10, v52;
	v9, v10, _ =	vpop (xrf1);
	(xrf1) =	vsort.dscd.msk.f32 $0xffff, v26, v4  }
0x142: {  	v32 =	vld [tilespmem:s17+$0xFFFFFEA0];
	(xrf1) =	vsort.dscd.msk.f32 $0xffff, v31, v28;
	v31, v59, _ =	vpop (xrf1)  }
0x143: {  	v7 =	vld [tilespmem:s17+$0xFFFFFEE0];
	v61 =	vperm.xlane v31, v52;
	(xrf1) =	vsort.dscd.msk.f32 $0xffff, v34, v2;
	v31, v63, _ =	vpop (xrf1)  }
0x144: {  	v48 =	vld [tilespmem:s17+$0xFFFFFF10];
	v50 =	vperm.xlane v31, v52;
	(xrf1) =	vsort.dscd.msk.f32 $0xffff, v38, v28;
	v31, v0, _ =	vpop (xrf1)  }
0x145: {  	v49 =	vld [tilespmem:s17+$0xFFFFFF20];
	v41 =	vperm.xlane v31, v52;
	(xrf1) =	vsort.dscd.msk.f32 $0xffff, v44, v2;
	v31, v13, _ =	vpop (xrf1)  }
0x146: {  	v6 =	vperm.xlane v51, v52;
	v54 =	vld [tilespmem:s17+$0xFFFFFF90];
	v38 =	vperm.xlane v31, v52;
	(xrf1) =	vsort.dscd.msk.f32 $0xffff, v46, v28;
	v31 =	vpop (erf)  }
0x147: {  	v55 =	vld [tilespmem:s17+$0xFFFFFFA0];
	v39 =	vperm.xlane v9, v52;
	v36, v14, _ =	vpop (xrf1);
	(xrf1) =	vsort.dscd.msk.f32 $0xffff, v32, v2;
	v31 =	vmul.f32 v31, v42  }
0x148: {  	v12 =	vld [tilespmem:s17+$0xFFFFFF50];
	v5 =	vperm.xlane v36, v52;
	v9 =	vperm.xlane v14, v52;
	(xrf1) =	vsort.dscd.msk.f32 $0xffff, v47, v28  }
0x149: {  	v45 =	vperm.xlane v63, v52;
	v63 =	vld [tilespmem:s17+$0xFFFFFFD0];
	[tilespmem:v37+s9+$0x0] =	vst.idx.msk $0xff, v43;
	(xrf1) =	vsort.dscd.msk.f32 $0xffff, v7, v2;
	v7, v37, _ =	vpop (xrf1)  }
0x14a: {  	v26 =	vld [tilespmem:s17+$0xFFFFFF60];
	v7 =	vsel vm0, v7, v5;
	v5 =	vsel vm0, v37, v9;
	(xrf1) =	vsort.dscd.msk.f32 $0xffff, v48, v28;
	v44, v36, _ =	vpop (xrf1)  }
0x14b: {  	v32 =	vperm.xlane v44, v52;
	v3 =	vperm.xlane v36, v52;
	v46, v47, _ =	vpop (xrf1);
	(xrf1) =	vsort.dscd.msk.f32 $0xffff, v7, v5  }
0x14c: {  	v15 =	vperm.xlane v58, v52;
	[tilespmem:v23+s10+$0x0] =	vst.idx.msk $0xff, v31;
	(xrf1) =	vsort.dscd.msk.f32 $0xffff, v49, v2;
	v31, v48, _ =	vpop (xrf1)  }
0x14d: {  	v31 =	vsel vm0, v31, v32;
	v49 =	vsel vm0, v48, v3;
	(xrf1) =	vsort.dscd.msk.f32 $0xffff, v12, v28;
	v58, v51, _ =	vpop (xrf1)  }
0x14e: {  	v34 =	vperm.xlane v0, v52;
	v0, v35, _ =	vpop (xrf1);
	(xrf1) =	vsort.dscd.msk.f32 $0xffff, v31, v49  }
0x14f: {  	v62 =	vperm.xlane v59, v52;
	(xrf1) =	vsort.dscd.msk.f32 $0xffff, v26, v2;
	v37, v26, _ =	vpop (xrf1)  }
0x150: {  	v59 =	vperm.xlane v46, v52;
	v49 =	vld [tilespmem:$0x1FE60];
	v44 =	vperm.xlane v26, v52;
	v42, v26, _ =	vpop (xrf1)  }
0x151: {  	v43 =	vperm.xlane v37, v52;
	v37 =	vperm.xlane v26, v52;
	v26, v31, _ =	vpop (xrf1)  }
0x152: {  	v4 =	vld [tilespmem:s17+$0x10];
	v60 =	vperm.xlane v47, v52;
	v46 =	vsel vm0, v26, v6;
	v47 =	vsel vm0, v31, v17;
	v6, v48, _ =	vpop (xrf1)  }
0x153: {  	[tilespmem:$0x1FD50] =	vst v47;
	v47 =	vperm.xlane v48, v52;
	v48 =	vld [tilespmem:$0x1FFD0]  }
0x154: {  	(xrf1) =	vsort.dscd.msk.f32 $0xffff, v54, v28  }
0x155: {  	(xrf1) =	vsort.dscd.msk.f32 $0xffff, v55, v2;
	[tilespmem:$0x1FD40] =	vst v46;
	v46 =	vperm.xlane v6, v52;
	v6, v55, _ =	vpop (xrf1)  }
0x156: {  	v20 =	vld [tilespmem:s17+$0x20];
	v36 =	vperm.xlane v42, v52;
	(xrf1) =	vsort.dscd.msk.f32 $0xffff, v63, v28;
	v5 =	vsel vm0, v6, v18;
	v6, v63, _ =	vpop (xrf1)  }
0x157: {  	v21 =	vld [tilespmem:s17+$0x50];
	(xrf1) =	vsort.dscd.msk.f32 $0xffff, v24, v2;
	[tilespmem:$0x1FD60] =	vst v5;
	v5 =	vsel vm0, v55, v33;
	v54 =	vperm.xlane v6, v52;
	v6, v33, _ =	vpop (xrf1)  }
0x158: {  	[tilespmem:v49+s11+$0x0] =	vst.idx.msk $0xff, v27;
	v42 =	vsel vm0, v6, v8;
	v6, v8, _ =	vpop (xrf1);
	(xrf1) =	vsort.dscd.msk.f32 $0xffff, v4, v48;
	v48 =	vld [tilespmem:$0x1FFD0]  }
0x159: {  	v22 =	vld [tilespmem:s17+$0x60];
	v55 =	vperm.xlane v63, v52;
	[tilespmem:v49+s12+$0x0] =	vst.idx.msk $0xff, v25;
	v63 =	vperm.xlane v6, v52;
	v6, v49, _ =	vpop (xrf1)  }
0x15a: {  	v29 =	vld [tilespmem:s17+$0x90];
	v18 =	vsel vm0, v6, v11  }
0x15b: {  	v16 =	vperm.xlane v57, v52;
	[tilespmem:$0x1FDA0] =	vst v18;
	v18 =	vld [tilespmem:$0x1FFD0]  }
0x15c: {  	v7 =	vld [tilespmem:s17+$0xA0];
	(xrf1) =	vsort.dscd.msk.f32 $0xffff, v20, v2  }
0x15d: {  	[tilespmem:$0x1FD80] =	vst v42;
	v42 =	vsel vm0, v33, v16;
	v6, v33, _ =	vpop (xrf1);
	(xrf1) =	vsort.dscd.msk.f32 $0xffff, v21, v48  }
0x15e: {  	v57 =	vperm.xlane v58, v52;
	v58 =	vperm.xlane v51, v52;
	(xrf1) =	vsort.dscd.msk.f32 $0xffff, v22, v2;
	v22, v25, _ =	vpop (xrf1)  }
0x15f: {  	v51 =	vperm.xlane v0, v52;
	v23 =	vperm.xlane v6, v52;
	v6, v0, _ =	vpop (xrf1)  }
0x160: {  	v53 =	vsel vm0, v6, v53;
	v6, v48, _ =	vpop (xrf1);
	(xrf1) =	vsort.dscd.msk.f32 $0xffff, v29, v18  }
0x161: {  	v1 =	vperm.xlane v10, v52;
	(xrf1) =	vsort.dscd.msk.f32 $0xffff, v7, v2;
	v7, v27, _ =	vpop (xrf1)  }
0x162: {  	v40 =	vperm.xlane v13, v52;
	v13 =	vld [tilespmem:s17+$0xD0];
	v49 =	vsel vm0, v49, v15;
	v17 =	vperm.xlane v48, v52;
	v48, v15, _ =	vpop (xrf1)  }
0x163: {  	v48 =	vsel vm0, v48, v39;
	v39 =	vsel vm0, v15, v1;
	v1 =	vld [tilespmem:$0x1FFD0];
	_ =	sdelay $0x3  }
0x164: {  	v30 =	vld [tilespmem:s17+$0x110];
	(xrf0) =	vmax.scan.msk.f32 $0xffff, v22;
	v56 =	vsel vm0, v0, v56;
	v18, v0, _ =	vpop (xrf1)  }
0x165: {  	v14 =	vld [tilespmem:s17+$0xE0];
	v26 =	vperm.xlane v0, v52;
	(xrf1) =	vsort.dscd.msk.f32 $0xffff, v13, v1;
	v0, v1, _ =	vpop (xrf1)  }
0x166: {  	v61 =	vsel vm0, v0, v61;
	v0 =	vld [tilespmem:$0x1FFD0];
	_ =	sdelay $0x3  }
0x167: {  	(xrf1) =	vsort.dscd.msk.f32 $0xffff, v14, v2  }
0x168: {  	(xrf1) =	vsort.dscd.msk.f32 $0xffff, v30, v0;
	v0, _, _ =	vpop (xrf0)  }
0x169: {  	v32 =	vperm.xlane v35, v52;
	v35 =	vld [tilespmem:s17+$0x120];
	v0 =	vbroadcast v0, $0xF  }
0x16a: {  	v12 =	vld [tilespmem:s17+$0x150];
	(xrf0) =	vmax.scan.msk.f32 $0xffff, v7  }
0x16b: {  	v0 =	vsub.f32 v22, v0;
	v22 =	vld [tilespmem:$0x1FFD0]  }
0x16c: {  	v3 =	vld [tilespmem:s17+$0x160];
	_ =	sdelay $0x1  }
0x16d: {  	v14 =	vld [tilespmem:s17+$0xFFFFFE00];
	v62 =	vsel vm0, v1, v62;
	v1, v30, _ =	vpop (xrf1);
	(xrf1) =	vsort.dscd.msk.f32 $0xffff, v35, v2  }
0x16e: {  	v9 =	vld [tilespmem:s17+$0xFFFFFE40];
	[tilespmem:$0x1FD70] =	vst v5;
	v35, v5, _ =	vpop (xrf1)  }
0x16f: {  	v28 =	vld [tilespmem:s17+$0xFFFFFE80];
	v50 =	vsel vm0, v35, v50;
	v35, _, _ =	vpop (xrf0);
	(xrf1) =	vsort.dscd.msk.f32 $0xffff, v12, v22  }
0x170: {  	v24 =	vld [tilespmem:s17+$0xFFFFFEC0];
	v45 =	vsel vm0, v5, v45;
	v5 =	vbroadcast v35, $0xF;
	v35, v22, _ =	vpop (xrf1);
	(xrf1) =	vsort.dscd.msk.f32 $0xffff, v3, v2  }
0x171: {  	v10 =	vld [tilespmem:s17+$0xFFFFFF00];
	v31 =	vperm.xlane v8, v52;
	v0 =	vmul.f32 $1.442695020e+00, v0  }
0x172: {  	v8 =	vld [tilespmem:s17+$0xFFFFFF40];
	v5 =	vsub.f32 v7, v5;
	v2 =	vperm.xlane v35, v52;
	v12, v35, _ =	vpop (xrf1);
	(xrf1) =	vsort.dscd.msk.f32 $0xffff, v14, v19  }
0x173: {  	v20 =	vld [tilespmem:s17+$0xFFFFFF80];
	(erf) = vpow2.f32 v0;
	v14, v7, _ =	vpop (xrf1);
	(xrf1) =	vsort.dscd.msk.f32 $0xffff, v9, v19  }
0x174: {  	v21 =	vld [tilespmem:s17+$0xFFFFFFC0];
	v5 =	vmul.f32 $1.442695020e+00, v5;
	v41 =	vsel vm0, v12, v41;
	v12 =	vsel vm0, v35, v34;
	v9, v34, _ =	vpop (xrf1);
	(xrf1) =	vsort.dscd.msk.f32 $0xffff, v28, v19  }
0x175: {  	(xrf1) =	vsort.dscd.msk.f32 $0xffff, v24, v19  }
0x176: {  	v11 =	vld [tilespmem:s17+$0x0];
	(erf) = vpow2.f32 v5;
	v0 =	vsel vm0, v9, v38;
	v38, v24, _ =	vpop (xrf1);
	(xrf1) =	vsort.dscd.msk.f32 $0xffff, v10, v19  }
0x177: {  	v4 =	vld [tilespmem:s17+$0x40];
	v3, v28, _ =	vpop (xrf1);
	(xrf1) =	vsort.dscd.msk.f32 $0xffff, v8, v19  }
0x178: {  	v3 =	vsel vm0, v3, v59;
	v59 =	vperm.xlane v24, v52;
	(xrf1) =	vsort.dscd.msk.f32 $0xffff, v20, v19;
	v20, v24, _ =	vpop (xrf1)  }
0x179: {  	v5 =	vsel vm0, v28, v60;
	(xrf1) =	vsort.dscd.msk.f32 $0xffff, v21, v19;
	v21, v28, _ =	vpop (xrf1)  }
0x17a: {  	v29 =	vld [tilespmem:s17+$0x80];
	v10, v60, _ =	vpop (xrf1)  }
0x17b: {  	v9 =	vperm.xlane v14, v52;
	v14 =	vperm.xlane v38, v52;
	(xrf1) =	vsort.dscd.msk.f32 $0xffff, v11, v19;
	v8, v38, _ =	vpop (xrf1)  }
0x17c: {  	v16 =	vperm.xlane v6, v52;
	v6 =	vld [tilespmem:s17+$0xC0];
	v40 =	vsel vm0, v34, v40;
	(xrf1) =	vsort.dscd.msk.f32 $0xffff, v4, v19;
	v4 =	vpop (erf)  }
0x17d: {  	v21 =	vsel vm0, v21, v57;
	v28 =	vsel vm0, v28, v58;
	v34 =	vnsel vm0, $0x0, v4;
	v4, v58, _ =	vpop (xrf1)  }
0x17e: {  	v15 =	vld [tilespmem:s17+$0x100];
	v35 =	vperm.xlane v60, v52;
	v8 =	vsel vm0, v8, v51;
	v51 =	vperm.xlane v58, v52;
	v60, v58, _ =	vpop (xrf1)  }
0x17f: {  	v57 =	vperm.xlane v10, v52;
	v10 =	vld [tilespmem:$0x1FD30];
	v32 =	vsel vm0, v38, v32;
	(xrf1) =	vsort.dscd.msk.f32 $0xffff, v29, v19;
	v29 =	vpop (erf)  }
0x180: {  	v43 =	vsel vm0, v60, v43;
	v44 =	vsel vm0, v58, v44;
	v38 =	vnsel vm0, $0x0, v29;
	v29, v60, _ =	vpop (xrf1)  }
0x181: {  	(xrf1) =	vsort.dscd.msk.f32 $0xffff, v6, v19;
	v6 =	vsel vm0, v29, v36;
	v29 =	vsel vm0, v60, v37;
	v58, v60, _ =	vpop (xrf1)  }
0x182: {  	v13 =	vld [tilespmem:s17+$0x140];
	v36 =	vsel vm0, v58, v46;
	v37 =	vsel vm0, v60, v47;
	v58, v60, _ =	vpop (xrf1)  }
0x183: {  	(xrf1) =	vsort.dscd.msk.f32 $0xffff, v15, v19;
	v11 =	vsel vm0, v58, v54;
	v46 =	vsel vm0, v60, v55;
	v58, v15, _ =	vpop (xrf1);
	v60 =	vld [tilespmem:$0x1FD40]  }
0x184: {  	(erf) = vrcp.f32 v10;
	v10 =	vsel vm0, v58, v63;
	v63 =	vld [tilespmem:$0x1FD50]  }
0x185: {  	(xrf2) =	vadd.scan.msk.f32 $0xffff, v34;
	_ =	sdelay $0x1  }
0x186: {  	(xrf1) =	vsort.dscd.msk.f32 $0xffff, v13, v19;
	v55 =	vld [tilespmem:$0x1FD90];
	v31 =	vsel vm0, v15, v31;
	v13, v15, _ =	vpop (xrf1)  }
0x187: {  	v33 =	vperm.xlane v33, v52;
	v58 =	vld [tilespmem:$0x1FD60]  }
0x188: {  	v23 =	vsel vm0, v13, v23;
	(xrf1) =	vsort.dscd.msk.f32 $0xffff, v60, v63;
	v60 =	vld [tilespmem:$0x1FD70];
	v63, v13, _ =	vpop (xrf1)  }
0x189: {  	(xrf2) =	vadd.scan.msk.f32 $0xffff, v38;
	v15 =	vsel vm0, v15, v33;
	v33 =	vld [tilespmem:$0x1FD80];
	v47, v54, _ =	vpop (xrf1)  }
0x18a: {  	v17 =	vsel vm0, v13, v17;
	v13 =	vsel vm0, v54, v26;
	v26 =	vld [tilespmem:$0x1FDA0];
	_ =	sdelay $0x2  }
0x18b: {  	(xrf1) =	vsort.dscd.msk.f32 $0xffff, v58, v60  }
0x18c: {  	v16 =	vsel vm0, v63, v16;
	v63, _, _ =	vpop (xrf2);
	(xrf1) =	vsort.dscd.msk.f32 $0xffff, v33, v42  }
0x18d: {  	(erf) = vrcp.f32 v55;
	v58, v60, _ =	vpop (xrf1);
	(xrf1) =	vsort.dscd.msk.f32 $0xffff, v26, v49  }
0x18e: {  	v1 =	vperm.xlane v1, v52;
	v54, v49, _ =	vpop (xrf1);
	(xrf1) =	vsort.dscd.msk.f32 $0xffff, v53, v56  }
0x18f: {  	v55, v56, _ =	vpop (xrf1);
	(xrf1) =	vsort.dscd.msk.f32 $0xffff, v48, v39  }
0x190: {  	v33 =	vsel vm0, v58, v1;
	v1 =	vbroadcast v63, $0xF;
	(xrf1) =	vsort.dscd.msk.f32 $0xffff, v61, v62;
	v62 =	vld [tilespmem:$0x1FF70]  }
0x191: {  	v58, _, _ =	vpop (xrf2)  }
0x192: {  	v30 =	vperm.xlane v30, v52;
	v26 =	vpop (erf);
	(erf) = vrcp.f32 v1  }
0x193: {  	v22 =	vperm.xlane v22, v52;
	v42 =	vsel vm0, v54, v2;
	v2 =	vbroadcast v58, $0xF  }
0x194: {  	v7 =	vperm.xlane v7, v52;
	v30 =	vsel vm0, v60, v30;
	v60, v61, _ =	vpop (xrf1);
	(xrf1) =	vsort.dscd.msk.f32 $0xffff, v50, v45  }
0x195: {  	(erf) = vrcp.f32 v2;
	(xrf1) =	vsort.dscd.msk.f32 $0xffff, v41, v12;
	v63 =	vmul.f32 v26, v62;
	v39, v26, _ =	vpop (xrf1)  }
0x196: {  	v20 =	vperm.xlane v20, v52;
	v24 =	vperm.xlane v24, v52;
	v48 =	vld [tilespmem:$0x1FF00];
	(xrf1) =	vsort.dscd.msk.f32 $0xffff, v0, v40;
	v40 =	vpop (erf)  }
0x197: {  	s25 =	sshll.u32 s16, $0x7;
	v22 =	vsel vm0, v49, v22;
	v9 =	vsel vm0, v55, v9;
	(xrf1) =	vsort.dscd.msk.f32 $0xffff, v3, v5;
	v41, v3, _ =	vpop (xrf1)  }
0x198: {  	s26 =	sadd.s32 $0x380, s25;
	v53 =	vand.u32 $0xFFFFFF80, v25;
	v7 =	vsel vm0, v56, v7;
	v45 =	vsel vm0, v61, v59;
	(xrf1) =	vsort.dscd.msk.f32 $0xffff, v21, v28;
	v50, v49, _ =	vpop (xrf1)  }
0x199: {  	v0 =	vadd.s32 s26, v53;
	v12 =	vsel vm0, v39, v20;
	v20 =	vsel vm0, v26, v24;
	v55, v54, _ =	vpop (xrf1);
	(xrf1) =	vsort.dscd.msk.f32 $0xffff, v8, v32  }
0x19a: {  	v26 =	vand.u32 $0xFFFFFF80, v27;
	v24 =	vsel vm0, v41, v57;
	v8 =	vand.u32 $0x7F, v25;
	v28, v56, _ =	vpop (xrf1);
	(xrf1) =	vsort.dscd.msk.f32 $0xffff, v43, v44  }
0x19b: {  	v57 =	vand.u32 $0x7F, v27;
	v26 =	vadd.s32 s26, v26;
	v61 =	vpop (erf);
	v8 =	vor.u32 v8, v0;
	(xrf1) =	vsort.dscd.msk.f32 $0xffff, v6, v29  }
0x19c: {  	v3 =	vsel vm0, v3, v35;
	v35 =	vor.u32 v57, v26;
	v6, v29, _ =	vpop (xrf1);
	(xrf1) =	vsort.dscd.msk.f32 $0xffff, v36, v37  }
0x19d: {  	v18 =	vperm.xlane v18, v52;
	v14 =	vsel vm0, v60, v14;
	v60 =	vor.u32 s26, v19;
	v36, v37, _ =	vpop (xrf1);
	(xrf1) =	vsort.dscd.msk.f32 $0xffff, v11, v46  }
0x19e: {  	[tilespmem:v48+s9+$0x0] =	vst.idx.msk $0xff, v63;
	v63 =	vmul.f32 v61, v34;
	(xrf1) =	vsort.dscd.msk.f32 $0xffff, v10, v31;
	v10 =	vpop (erf)  }
0x19f: {  	v38 =	vmul.f32 v10, v38;
	(xrf1) =	vsort.dscd.msk.f32 $0xffff, v23, v15;
	v15, v23, _ =	vpop (xrf1)  }
0x1a0: {  	v18 =	vsel vm0, v47, v18;
	v5 =	vld [tilespmem:$0x1FF90];
	[tilespmem:v8+s9+$0x0] =	vst.idx.msk $0xff, v63;
	(xrf1) =	vsort.dscd.msk.f32 $0xffff, v16, v17;
	v8, v43, _ =	vpop (xrf1)  }
0x1a1: {  	v4 =	vperm.xlane v4, v52;
	[tilespmem:v35+s10+$0x0] =	vst.idx.msk $0xff, v38;
	(xrf1) =	vsort.dscd.msk.f32 $0xffff, v18, v13;
	v10, v46, _ =	vpop (xrf1)  }
0x1a2: {  	v57 =	vld [tilespmem:$0x1FF10];
	[tilespmem:v60+s11+$0x0] =	vst.idx.msk $0xff, v25;
	(xrf1) =	vsort.dscd.msk.f32 $0xffff, v33, v30;
	v25, v30, _ =	vpop (xrf1)  }
0x1a3: {  	v4 =	vsel vm0, v50, v4;
	[tilespmem:v60+s12+$0x0] =	vst.idx.msk $0xff, v27;
	(xrf1) =	vsort.dscd.msk.f32 $0xffff, v42, v22;
	v22, v27, _ =	vpop (xrf1)  }
0x1a4: {  	v21 =	vsel vm0, v49, v51;
	v58 =	vperm.xlane v55, v52;
	(xrf1) =	vsort.dscd.msk.f32 $0xffff, v9, v7;
	v7, v9, _ =	vpop (xrf1)  }
0x1a5: {  	v5 =	vmul.f32 v40, v5;
	v40 =	vperm.xlane v54, v52;
	(xrf1) =	vsort.dscd.msk.f32 $0xffff, v14, v45;
	v54, v53, _ =	vpop (xrf1)  }
0x1a6: {  	s24 =	sadd.s32 $0x80, s25;
	v28 =	vperm.xlane v28, v52;
	(xrf1) =	vsort.dscd.msk.f32 $0xffff, v12, v20;
	v12, v20, _ =	vpop (xrf1)  }
0x1a7: {  	s23 =	sadd.s32 $0x100, s25;
	v59 =	vor.u32 s24, v19;
	v29 =	vperm.xlane v29, v52;
	v11 =	vperm.xlane v56, v52;
	(xrf1) =	vsort.dscd.msk.f32 $0xffff, v24, v3;
	v3, v24, _ =	vpop (xrf1)  }
0x1a8: {  	v62 =	vor.u32 s23, v19;
	v44 =	vperm.xlane v36, v52;
	v47 =	vperm.xlane v37, v52;
	(xrf1) =	vsort.dscd.msk.f32 $0xffff, v4, v21;
	v4, v21, _ =	vpop (xrf1)  }
0x1a9: {  	[tilespmem:$0x1FE40] =	vst v59;
	v31 =	vperm.xlane v6, v52;
	v15 =	vperm.xlane v15, v52;
	v55, v56, _ =	vpop (xrf1)  }
0x1aa: {  	v2 =	vld [tilespmem:$0x1FF80];
	v23 =	vperm.xlane v23, v52;
	[tilespmem:v57+s10+$0x0] =	vst.idx.msk $0xff, v5;
	v5 =	vsel vm0, v55, v58;
	v59, v58, _ =	vpop (xrf1)  }
0x1ab: {  	v8 =	vperm.xlane v8, v52;
	v16 =	vperm.xlane v43, v52;
	v61, v60, _ =	vpop (xrf1)  }
0x1ac: {  	[tilespmem:$0x1FE50] =	vst v62;
	v10 =	vperm.xlane v10, v52;
	v13 =	vperm.xlane v46, v52;
	v63, v62, _ =	vpop (xrf1)  }
0x1ad: {  	v25 =	vperm.xlane v25, v52;
	v27 =	vperm.xlane v27, v52;
	v33 =	vsel vm0, v56, v40;
	v40, v41, _ =	vpop (xrf1)  }
0x1ae: {  	v22 =	vperm.xlane v22, v52;
	v7 =	vperm.xlane v7, v52;
	v43, v42, _ =	vpop (xrf1);
	v15 =	vsel vm0, v40, v15;
	v40 =	vld [tilespmem:$0x1FFA0]  }
0x1af: {  	(xrf2) =	vadd.scan.msk.f32 $0xffff, v2;
	v9 =	vperm.xlane v9, v52;
	v11 =	vsel vm0, v58, v11;
	v17 =	vsel vm0, v63, v44;
	v45, v44, _ =	vpop (xrf1)  }
0x1b0: {  	v28 =	vsel vm0, v59, v28;
	v18 =	vsel vm0, v62, v47;
	v46, v47, _ =	vpop (xrf1);
	(xrf1) =	vsort.dscd.msk.f32 $0xffff, v5, v33  }
0x1b1: {  	v31 =	vsel vm0, v61, v31;
	v29 =	vsel vm0, v60, v29;
	v5, v49, _ =	vpop (xrf1);
	(xrf1) =	vsort.dscd.msk.f32 $0xffff, v28, v11  }
0x1b2: {  	v5 =	vsel vm0, v5, v22;
	v22 =	vsel vm0, v49, v27;
	v11, v27, _ =	vpop (xrf1);
	(xrf1) =	vsort.dscd.msk.f32 $0xffff, v31, v29  }
0x1b3: {  	v23 =	vsel vm0, v41, v23;
	v8 =	vsel vm0, v43, v8;
	v16 =	vsel vm0, v42, v16;
	(xrf2) =	vadd.scan.msk.f32 $0xffff, v40  }
0x1b4: {  	v7 =	vsel vm0, v11, v7;
	v9 =	vsel vm0, v27, v9;
	v11, v27, _ =	vpop (xrf1);
	(xrf1) =	vsort.dscd.msk.f32 $0xffff, v17, v18  }
0x1b5: {  	v30 =	vperm.xlane v30, v52;
	v14 =	vperm.xlane v54, v52;
	v17, v18, _ =	vpop (xrf1);
	(xrf1) =	vsort.dscd.msk.f32 $0xffff, v15, v23  }
0x1b6: {  	v10 =	vsel vm0, v45, v10;
	v13 =	vsel vm0, v44, v13;
	v55, v54, _ =	vpop (xrf1);
	(xrf1) =	vsort.dscd.msk.f32 $0xffff, v8, v16  }
0x1b7: {  	s22 =	sadd.s32 $0x180, s25;
	s20 =	sadd.s32 $0x280, s25;
	v25 =	vsel vm0, v46, v25;
	v30 =	vsel vm0, v47, v30;
	v8, v16, _ =	vpop (xrf1);
	(xrf1) =	vsort.dscd.msk.f32 $0xffff, v10, v13  }
0x1b8: {  	s21 =	sadd.s32 $0x200, s25;
	s19 =	sadd.s32 $0x300, s25;
	v48 =	vor.u32 s25, v19;
	v34 =	vor.u32 s22, v19;
	v51 =	vor.u32 s20, v19;
	(xrf1) =	vsort.dscd.msk.f32 $0xffff, v25, v30  }
0x1b9: {  	v50 =	vor.u32 s19, v19;
	v6 =	vor.u32 s21, v19;
	v19 =	vperm.xlane v53, v52  }
0x1ba: {  	v12 =	vperm.xlane v12, v52;
	v3 =	vperm.xlane v3, v52;
	(xrf1) =	vsort.dscd.msk.f32 $0xffff, v5, v22  }
0x1bb: {  	v20 =	vperm.xlane v20, v52;
	v24 =	vperm.xlane v24, v52;
	v11 =	vsel vm0, v11, v14  }
0x1bc: {  	[tilespmem:$0x1FDB0] =	vst v50;
	v50 =	vsel vm0, v27, v19;
	v3 =	vsel vm0, v55, v3;
	(xrf1) =	vsort.dscd.msk.f32 $0xffff, v7, v9  }
0x1bd: {  	v12 =	vsel vm0, v17, v12;
	v53 =	vsel vm0, v18, v20;
	v10, _, _ =	vpop (xrf2);
	(xrf1) =	vsort.dscd.msk.f32 $0xffff, v11, v50  }
0x1be: {  	v56 =	vsel vm0, v54, v24;
	(xrf1) =	vsort.dscd.msk.f32 $0xffff, v12, v53;
	v5, _, _ =	vpop (xrf2)  }
0x1bf: {  	v4 =	vperm.xlane v4, v52;
	v21 =	vperm.xlane v21, v52;
	(xrf1) =	vsort.dscd.msk.f32 $0xffff, v3, v56;
	v3, v49, _ =	vpop (xrf1)  }
0x1c0: {  	v12, v50, _ =	vpop (xrf1)  }
0x1c1: {  	v57 =	vld [tilespmem:$0x1FE70];
	v4 =	vsel vm0, v8, v4;
	v8 =	vsel vm0, v16, v21;
	(xrf0) =	vmax.scan.msk.f32 $0xffff, v3;
	v14, v33, _ =	vpop (xrf1)  }
0x1c2: {  	[tilespmem:$0x1FE60] =	vst v34;
	(xrf1) =	vsort.dscd.msk.f32 $0xffff, v4, v8;
	v19, v34, _ =	vpop (xrf1)  }
0x1c3: {  	v60 =	vmov v6;
	v30 =	vbroadcast v10, $0xF;
	(xrf0) =	vmax.scan.msk.f32 $0xffff, v12;
	v22, v31, _ =	vpop (xrf1)  }
0x1c4: {  	v58 =	vld [tilespmem:$0x1FEA0];
	v35 =	vbroadcast v5, $0xF;
	v4 =	vand.u32 $0xFFFFFF80, v49;
	v5 =	vand.u32 $0x7F, v49;
	v28, v32, _ =	vpop (xrf1)  }
0x1c5: {  	v59 =	vld [tilespmem:$0x1FEB0];
	v4 =	vadd.s32 s25, v4;
	v6 =	vand.u32 $0xFFFFFF80, v50;
	v13 =	vand.u32 $0x7F, v50;
	v36, v27, _ =	vpop (xrf1)  }
0x1c6: {  	v17 =	vadd.s32 s25, v6;
	v6 =	vand.u32 $0xFFFFFF80, v33;
	v18 =	vand.u32 $0x7F, v33;
	v37, v25, _ =	vpop (xrf1)  }
0x1c7: {  	v20 =	vadd.s32 s24, v6;
	v6 =	vand.u32 $0xFFFFFF80, v34;
	v21 =	vand.u32 $0x7F, v34;
	v54, _, _ =	vpop (xrf0)  }
0x1c8: {  	v23 =	vadd.s32 s24, v6;
	v6 =	vand.u32 $0xFFFFFF80, v31;
	v24 =	vand.u32 $0x7F, v31;
	v41, v61, _ =	vpop (xrf1)  }
0x1c9: {  	[tilespmem:v57+s11+$0x0] =	vst.idx.msk $0xff, v58;
	v29 =	vadd.s32 s23, v6;
	v39 =	vbroadcast v54, $0xF;
	v54 =	vor.u32 v5, v4;
	v5, _, _ =	vpop (xrf0)  }
0x1ca: {  	[tilespmem:v57+s12+$0x0] =	vst.idx.msk $0xff, v59;
	v6 =	vand.u32 $0xFFFFFF80, v32;
	v8 =	vand.u32 $0x7F, v32;
	v7 =	vand.u32 $0xFFFFFF80, v27;
	v42, v62, _ =	vpop (xrf1)  }
0x1cb: {  	(xrf0) =	vmax.scan.msk.f32 $0xffff, v14;
	v10 =	vadd.s32 s23, v6;
	v15 =	vadd.s32 s22, v7;
	v7 =	vand.u32 $0xFFFFFF80, v25;
	v44, v58, _ =	vpop (xrf1)  }
0x1cc: {  	(xrf0) =	vmax.scan.msk.f32 $0xffff, v19;
	v6 =	vand.u32 $0x7F, v27;
	v16 =	vadd.s32 s22, v7;
	v7 =	vand.u32 $0xFFFFFF80, v61;
	v47, v57, _ =	vpop (xrf1)  }
0x1cd: {  	(xrf0) =	vmax.scan.msk.f32 $0xffff, v22;
	v11 =	vand.u32 $0x7F, v61;
	v5 =	vbroadcast v5, $0xF;
	v1 =	vand.u32 $0xFFFFFF80, v57  }
0x1ce: {  	(xrf0) =	vmax.scan.msk.f32 $0xffff, v28;
	v7 =	vadd.s32 s21, v7;
	v63 =	vand.u32 $0xFFFFFF80, v62;
	v43 =	vand.u32 $0x7F, v62  }
0x1cf: {  	[tilespmem:$0x1FEA0] =	vst v61;
	v3 =	vsub.f32 v3, v39;
	v39 =	vor.u32 v21, v23;
	v45 =	vadd.s32 s21, v63;
	v61, v55, _ =	vpop (xrf1)  }
0x1d0: {  	[tilespmem:$0x1FEB0] =	vst v62;
	v0 =	vand.u32 $0xFFFFFF80, v58;
	v5 =	vsub.f32 v12, v5;
	v62 =	vadd.s32 s20, v1;
	v1, v56, _ =	vpop (xrf1)  }
0x1d1: {  	(xrf0) =	vmax.scan.msk.f32 $0xffff, v36;
	v3 =	vmul.f32 $1.442695020e+00, v3;
	v53 =	vand.u32 $0xFFFFFF80, v55;
	v38 =	vand.u32 $0xFFFFFF80, v56  }
0x1d2: {  	(xrf0) =	vmax.scan.msk.f32 $0xffff, v37;
	v5 =	vmul.f32 $1.442695020e+00, v5;
	v4 =	vadd.s32 s19, v38;
	v38 =	vor.u32 v18, v20;
	v18, _, _ =	vpop (xrf0)  }
0x1d3: {  	v26 =	vadd.s32 s19, v53;
	v53 =	vor.u32 v13, v17;
	(xrf0) =	vmax.scan.msk.f32 $0xffff, v41;
	v13 =	vbroadcast v18, $0xF;
	v17, _, _ =	vpop (xrf0)  }
0x1d4: {  	v7 =	vor.u32 v11, v7;
	(erf) = vpow2.f32 v3;
	(xrf0) =	vmax.scan.msk.f32 $0xffff, v42;
	v12 =	vbroadcast v17, $0xF;
	v17, _, _ =	vpop (xrf0)  }
0x1d5: {  	v20 =	vor.u32 v24, v29;
	v29 =	vld [tilespmem:$0x1FFB0];
	v13 =	vsub.f32 v14, v13;
	v14 =	vbroadcast v17, $0xF  }
0x1d6: {  	v59 =	vadd.s32 s20, v0;
	(erf) = vpow2.f32 v5;
	(xrf0) =	vmax.scan.msk.f32 $0xffff, v44;
	v17, _, _ =	vpop (xrf0);
	v12 =	vsub.f32 v19, v12  }
0x1d7: {  	(xrf0) =	vmax.scan.msk.f32 $0xffff, v47;
	v17 =	vbroadcast v17, $0xF;
	v18, _, _ =	vpop (xrf0);
	v13 =	vmul.f32 $1.442695020e+00, v13;
	v14 =	vsub.f32 v22, v14  }
0x1d8: {  	v63 =	vand.u32 $0x7F, v55;
	[tilespmem:$0x1FEE0] =	vst v20;
	v18 =	vbroadcast v18, $0xF;
	v19, _, _ =	vpop (xrf0);
	v12 =	vmul.f32 $1.442695020e+00, v12  }
0x1d9: {  	(xrf0) =	vmax.scan.msk.f32 $0xffff, v61;
	v17 =	vsub.f32 v28, v17;
	v19 =	vbroadcast v19, $0xF;
	v20, _, _ =	vpop (xrf0);
	v14 =	vmul.f32 $1.442695020e+00, v14  }
0x1da: {  	(xrf2) =	vadd.scan.msk.f32 $0xffff, v29;
	v18 =	vsub.f32 v36, v18;
	v20 =	vbroadcast v20, $0xF;
	v21, _, _ =	vpop (xrf0);
	(erf) = vpow2.f32 v13  }
0x1db: {  	v0 =	vand.u32 $0x7F, v56;
	(xrf0) =	vmax.scan.msk.f32 $0xffff, v1;
	v17 =	vmul.f32 $1.442695020e+00, v17;
	v21 =	vbroadcast v21, $0xF  }
0x1dc: {  	v36 =	vld [tilespmem:$0x1FFC0];
	v19 =	vsub.f32 v37, v19;
	v22, _, _ =	vpop (xrf0);
	(erf) = vpow2.f32 v12;
	v18 =	vmul.f32 $1.442695020e+00, v18  }
0x1dd: {  	v20 =	vsub.f32 v41, v20;
	v22 =	vbroadcast v22, $0xF;
	v23, _, _ =	vpop (xrf0);
	(erf) = vpow2.f32 v14  }
0x1de: {  	v0 =	vor.u32 v0, v4;
	v19 =	vmul.f32 $1.442695020e+00, v19;
	v23 =	vbroadcast v23, $0xF  }
0x1df: {  	v21 =	vsub.f32 v42, v21;
	v24, _, _ =	vpop (xrf0);
	(erf) = vpow2.f32 v17;
	v20 =	vmul.f32 $1.442695020e+00, v20  }
0x1e0: {  	v24 =	vbroadcast v24, $0xF;
	(erf) = vpow2.f32 v18;
	v23 =	vsub.f32 v47, v23  }
0x1e1: {  	v22 =	vsub.f32 v44, v22;
	v28, _, _ =	vpop (xrf0);
	(xrf2) =	vadd.scan.msk.f32 $0xffff, v36;
	v21 =	vmul.f32 $1.442695020e+00, v21;
	(erf) = vpow2.f32 v19  }
0x1e2: {  	v4 =	vpop (erf);
	v37 =	vor.u32 v6, v15;
	v28 =	vbroadcast v28, $0xF;
	v3 =	vmul.f32 $1.442695020e+00, v23  }
0x1e3: {  	v11 =	vpop (erf);
	v22 =	vmul.f32 $1.442695020e+00, v22;
	v24 =	vsub.f32 v61, v24;
	(erf) = vpow2.f32 v20  }
0x1e4: {  	v41 =	vor.u32 v8, v10;
	v1 =	vsub.f32 v1, v28;
	(erf) = vpow2.f32 v21;
	v6, _, _ =	vpop (xrf2)  }
0x1e5: {  	v10 =	vor.u32 v63, v26;
	v5 =	vmul.f32 $1.442695020e+00, v24;
	(erf) = vpow2.f32 v22;
	v63 =	vpop (erf)  }
0x1e6: {  	v1 =	vmul.f32 $1.442695020e+00, v1;
	(erf) = vpow2.f32 v3;
	v3 =	vpop (erf)  }
0x1e7: {  	v9 =	vand.u32 $0x7F, v25;
	(erf) = vpow2.f32 v5;
	v47 =	vnsel vm0, $0x0, v3;
	v3 =	vpop (erf)  }
0x1e8: {  	v23 =	vor.u32 v9, v16;
	(erf) = vpow2.f32 v1;
	v16 =	vpop (erf)  }
0x1e9: {  	v17 =	vpop (erf);
	(erf) = vrcp.f32 v30  }
0x1ea: {  	v4 =	vnsel vm0, $0x0, v4;
	v18 =	vpop (erf);
	(erf) = vrcp.f32 v35  }
0x1eb: {  	v9, _, _ =	vpop (xrf2);
	(xrf2) =	vadd.scan.msk.f32 $0xffff, v4  }
0x1ec: {  	v19 =	vpop (erf)  }
0x1ed: {  	v46 =	vand.u32 $0x7F, v58;
	[tilespmem:$0x1FF00] =	vst v7;
	v7 =	vor.u32 v43, v45;
	v6 =	vbroadcast v6, $0xF;
	v35 =	vpop (erf)  }
0x1ee: {  	[tilespmem:$0x1FF10] =	vst v7;
	v7 =	vor.u32 v46, v59;
	v59 =	vpop (erf)  }
0x1ef: {  	[tilespmem:$0x1FE70] =	vst v60;
	v60 =	vand.u32 $0x7F, v57;
	v11 =	vnsel vm0, $0x0, v11;
	v46 =	vnsel vm0, $0x0, v3;
	v3 =	vpop (erf)  }
0x1f0: {  	v8 =	vor.u32 v60, v62;
	v45 =	vnsel vm0, $0x0, v63;
	(xrf2) =	vadd.scan.msk.f32 $0xffff, v11;
	v5 =	vpop (erf)  }
0x1f1: {  	v14 =	vmov v10;
	v9 =	vbroadcast v9, $0xF;
	(erf) = vrcp.f32 v6;
	(xrf2) =	vadd.scan.msk.f32 $0xffff, v45;
	v6 =	vpop (erf)  }
0x1f2: {  	v13 =	vld [tilespmem:$0x1FF50];
	v43 =	vnsel vm0, $0x0, v16;
	v42 =	vnsel vm0, $0x0, v18;
	v16 =	vnsel vm0, $0x0, v19;
	v60 =	vpop (erf)  }
0x1f3: {  	[tilespmem:$0x1FF50] =	vst v14;
	v18 =	vld [tilespmem:$0x1FF60];
	v19 =	vmov v0;
	v1 =	vnsel vm0, $0x0, v59;
	v3 =	vnsel vm0, $0x0, v3;
	v61 =	vpop (erf)  }
0x1f4: {  	v15 =	vnsel vm0, $0x0, v35;
	(erf) = vrcp.f32 v9;
	[tilespmem:$0x1FF60] =	vst v19;
	v62 =	vmovc v1;
	v35 =	vmul.f32 v61, v40;
	v40 =	vmovc v3;
	v3 =	vld [tilespmem:$0x1FF20]  }
0x1f5: {  	[tilespmem:$0x1FF70] =	vst v16;
	v59 =	vmov v7;
	v7 =	vld [tilespmem:$0x1FF40];
	v9, _, _ =	vpop (xrf2)  }
0x1f6: {  	[tilespmem:$0x1FF90] =	vst v15;
	v5 =	vnsel vm0, $0x0, v5;
	v9 =	vbroadcast v9, $0xF  }
0x1f7: {  	[tilespmem:$0x1FF80] =	vst v62;
	v62 =	vmov v5  }
0x1f8: {  	(xrf2) =	vadd.scan.msk.f32 $0xffff, v47;
	[tilespmem:$0x1FFB0] =	vst v62  }
0x1f9: {  	v12 =	vmul.f32 v60, v2;
	[tilespmem:$0x1FF20] =	vst v59  }
0x1fa: {  	(xrf2) =	vadd.scan.msk.f32 $0xffff, v46;
	v63, _, _ =	vpop (xrf2);
	[tilespmem:$0x1FFA0] =	vst v40;
	(erf) = vrcp.f32 v9;
	v9 =	vmov v8  }
0x1fb: {  	(xrf2) =	vadd.scan.msk.f32 $0xffff, v43;
	v1 =	vbroadcast v63, $0xF;
	v8, _, _ =	vpop (xrf2);
	[tilespmem:$0x1FF40] =	vst v9  }
0x1fc: {  	v61 =	vmov v58;
	v9 =	vld [tilespmem:$0x1FE80];
	[tilespmem:v3+s9+$0x0] =	vst.idx.msk $0xff, v12;
	v3 =	vpop (erf)  }
0x1fd: {  	v5 =	vbroadcast v8, $0xF;
	v8 =	vmov v57;
	v57 =	vld [tilespmem:$0x1FDB0];
	[tilespmem:v7+s10+$0x0] =	vst.idx.msk $0xff, v35;
	v7 =	vpop (erf);
	(erf) = vrcp.f32 v1  }
0x1fe: {  	v6 =	vnsel vm0, $0x0, v6;
	v60 =	vld [tilespmem:$0x1FEC0];
	[tilespmem:$0x1FEC0] =	vst v61  }
0x1ff: {  	v63 =	vld [tilespmem:$0x1FED0];
	[tilespmem:$0x1FED0] =	vst v8;
	v12 =	vmov v6;
	v3 =	vmul.f32 v3, v29  }
0x200: {  	v44 =	vnsel vm0, $0x0, v17;
	[tilespmem:$0x1FFC0] =	vst v12;
	v7 =	vmul.f32 v7, v36  }
0x201: {  	v28 =	vld [tilespmem:$0x1FFD0];
	(xrf2) =	vadd.scan.msk.f32 $0xffff, v44;
	[tilespmem:v13+s9+$0x0] =	vst.idx.msk $0xff, v3  }
0x202: {  	v17, _, _ =	vpop (xrf2);
	(erf) = vrcp.f32 v5;
	v36 =	vld [tilespmem:$0x1FE90];
	v5 =	vmov v57;
	[tilespmem:v18+s10+$0x0] =	vst.idx.msk $0xff, v7  }
0x203: {  	s17 =	sadd.s32 $0x400, s17;
	v40 =	vld [tilespmem:$0x1FEF0];
	[tilespmem:$0x1FE90] =	vst v5;
	v3 =	vpop (erf)  }
0x204: {  	v61 =	vld [tilespmem:s17+$0x1B0];
	v59, _, _ =	vpop (xrf2);
	[tilespmem:v9+s11+$0x0] =	vst.idx.msk $0xff, v60;
	v3 =	vmul.f32 v3, v4  }
0x205: {  	v58 =	vmov v56;
	v60 =	vld [tilespmem:s17+$0x190];
	v4, _, _ =	vpop (xrf2);
	[tilespmem:v9+s12+$0x0] =	vst.idx.msk $0xff, v63  }
0x206: {  	v9 =	vmov v51;
	v51 =	vmov v55;
	v55 =	vld [tilespmem:$0x1FF30];
	[tilespmem:v54+s9+$0x0] =	vst.idx.msk $0xff, v3;
	v3 =	vbroadcast v4, $0xF;
	v4 =	vpop (erf)  }
0x207: {  	p0 =	slt.u32 s18, $0x78;
	[tilespmem:$0x1FF30] =	vst v58;
	v62 =	vmul.f32 v4, v11;
	v4 =	vld [tilespmem:$0x1FFE0]  }
.Ltmp1:
0x208: {  	v10 =	vld [tilespmem:s17+$0x1E0];
	(xrf2) =	vadd.scan.msk.f32 $0xffff, v42;
	v35 =	vbroadcast v17, $0xF;
	[tilespmem:$0x1FE80] =	vst v9;
	(pc) =	sbr.rel @p0 .LBB2_5-.Ltmp1, $4  }
0x209: {  	v8 =	vld [tilespmem:s17+$0x1D0];
	(xrf2) =	vadd.scan.msk.f32 $0xffff, v16;
	v1 =	vbroadcast v59, $0xF;
	[tilespmem:$0x1FEF0] =	vst v51  }
0x20a: {  	v6 =	vld [tilespmem:s17+$0x1A0];
	(erf) = vrcp.f32 v35;
	(xrf2) =	vadd.scan.msk.f32 $0xffff, v15;
	[tilespmem:v36+s11+$0x0] =	vst.idx.msk $0xff, v40  }
0x20b: {  	v7 =	vld [tilespmem:s17+$0x1F0];
	v63, _, _ =	vpop (xrf2);
	(erf) = vrcp.f32 v1;
	(xrf1) =	vsort.dscd.msk.f32 $0xffff, v60, v28;
	[tilespmem:v36+s12+$0x0] =	vst.idx.msk $0xff, v55  }
0x20c: {  	s16 =	smov.u32 s18;
	s18 =	sadd.s32 $0x8, s18;
	v9 =	vld [tilespmem:s17+$0x180];
	v11 =	vbroadcast v63, $0xF;
	v51 =	vpop (erf);
	(erf) = vrcp.f32 v3;
	[tilespmem:v53+s10+$0x0] =	vst.idx.msk $0xff, v62;
	(xrf1) =	vsort.dscd.msk.f32 $0xffff, v61, v4  }
0x20d: {  	_ = 	snop  }
0x20e: {  	v53 =	vld [tilespmem:$0x1FFF0];
	_ =	sdelay $0x2  }
0x20f: {  	[tilespmem:v48+s11+$0x0] =	vst.idx.msk $0xff, v49  }
0x210: {  	v0 =	vld [tilespmem:s17+$0xFFFFFE30];
	[tilespmem:v48+s12+$0x0] =	vst.idx.msk $0xff, v50  }
0x211: {  	(xrf1) =	vsort.dscd.msk.f32 $0xffff, v6, v53;
	v6 =	vld [tilespmem:$0x1FFE0]  }
0x212: {  	(xrf1) =	vsort.dscd.msk.f32 $0xffff, v8, v28  }
0x213: {  	v48 =	vlaneseq.u32;
	v2, _, _ =	vpop (xrf2);
	(xrf1) =	vsort.dscd.msk.f32 $0xffff, v7, v4  }
0x214: {  	v1 =	vld [tilespmem:s17+$0x1C0];
	[tilespmem:$0x1FB50] =	vst v2;
	(xrf1) =	vsort.dscd.msk.f32 $0xffff, v9, v48  }
0x215: {  	v2 =	vld [tilespmem:s17+$0xFFFFFE70];
	(xrf1) =	vsort.dscd.msk.f32 $0xffff, v10, v53  }
0x216: {  	(xrf1) =	vsort.dscd.msk.f32 $0xffff, v0, v6;
	v6 =	vld [tilespmem:$0x1FFE0];
	_ =	sdelay $0x3  }
0x217: {  	v3 =	vld [tilespmem:s17+$0xFFFFFEB0];
	(xrf1) =	vsort.dscd.msk.f32 $0xffff, v1, v48  }
0x218: {  	(xrf1) =	vsort.dscd.msk.f32 $0xffff, v2, v6;
	v6 =	vld [tilespmem:$0x1FFE0];
	_ =	sdelay $0x3  }
0x219: {  	v4 =	vld [tilespmem:s17+$0xFFFFFEF0]  }
0x21a: {  	(xrf1) =	vsort.dscd.msk.f32 $0xffff, v3, v6;
	v6 =	vld [tilespmem:$0x1FFE0];
	_ =	sdelay $0x3  }
0x21b: {  	v5 =	vld [tilespmem:s17+$0xFFFFFF30]  }
0x21c: {  	(xrf1) =	vsort.dscd.msk.f32 $0xffff, v4, v6;
	v6 =	vld [tilespmem:$0x1FFE0];
	_ =	sdelay $0x3  }
0x21d: {  	v0 =	vld [tilespmem:s17+$0xFFFFFF70]  }
0x21e: {  	(xrf1) =	vsort.dscd.msk.f32 $0xffff, v5, v6;
	v5 =	vld [tilespmem:$0x1FFE0];
	_ =	sdelay $0x2  }
0x21f: {  	v1 =	vld [tilespmem:s17+$0xFFFFFFB0]  }
0x220: {  	v2 =	vld [tilespmem:s17+$0xFFFFFFF0]  }
0x221: {  	(xrf1) =	vsort.dscd.msk.f32 $0xffff, v0, v5;
	v0 =	vld [tilespmem:$0x1FFE0]  }
0x222: {  	v5 =	vld [tilespmem:$0x1FFE0]  }
0x223: {  	v7 =	vld [tilespmem:$0x1FFE0]  }
0x224: {  	v3 =	vld [tilespmem:s17+$0x30]  }
0x225: {  	v6 =	vld [tilespmem:$0x1FFE0]  }
0x226: {  	v4 =	vld [tilespmem:s17+$0x70];
	(xrf1) =	vsort.dscd.msk.f32 $0xffff, v1, v0;
	v0, v1, _ =	vpop (xrf1)  }
0x227: {  	(xrf1) =	vsort.dscd.msk.f32 $0xffff, v2, v5;
	v2, v5, _ =	vpop (xrf1)  }
0x228: {  	v5 =	vperm.xlane v5, v52;
	_ =	sdelay $0x1  }
0x229: {  	v2 =	vperm.xlane v2, v52;
	(xrf1) =	vsort.dscd.msk.f32 $0xffff, v3, v6;
	v3, v6, _ =	vpop (xrf1)  }
0x22a: {  	(xrf1) =	vsort.dscd.msk.f32 $0xffff, v4, v7;
	v4, v7, _ =	vpop (xrf1)  }
0x22b: {  	v1 =	vperm.xlane v1, v52;
	v2 =	vsel vm0, v3, v2;
	v3 =	vsel vm0, v6, v5;
	v5, v6, _ =	vpop (xrf1)  }
0x22c: {  	v9, v26, _ =	vpop (xrf1)  }
0x22d: {  	v0 =	vperm.xlane v0, v52;
	v1 =	vsel vm0, v26, v1  }
0x22e: {  	v5 =	vperm.xlane v5, v52;
	(xrf1) =	vsort.dscd.msk.f32 $0xffff, v2, v3;
	v3 =	vperm.xlane v7, v52;
	v7, v35, _ =	vpop (xrf1)  }
0x22f: {  	v4 =	vperm.xlane v4, v52;
	v0 =	vsel vm0, v9, v0;
	v17, v49, _ =	vpop (xrf1)  }
0x230: {  	v24 =	vld [tilespmem:s17+$0xB0];
	v5 =	vsel vm0, v7, v5;
	(xrf1) =	vsort.dscd.msk.f32 $0xffff, v0, v1;
	v1, v7, _ =	vpop (xrf1)  }
0x231: {  	v1 =	vsel vm0, v1, v4;
	v4 =	vld [tilespmem:$0x1FFE0]  }
0x232: {  	v6 =	vperm.xlane v6, v52;
	_ =	sdelay $0x1  }
0x233: {  	v6 =	vsel vm0, v35, v6  }
0x234: {  	(xrf1) =	vsort.dscd.msk.f32 $0xffff, v5, v6  }
0x235: {  	v2 =	vld [tilespmem:s17+$0xF0];
	v3 =	vsel vm0, v7, v3;
	(xrf1) =	vsort.dscd.msk.f32 $0xffff, v24, v4  }
0x236: {  	v50, v55, _ =	vpop (xrf1);
	(xrf1) =	vsort.dscd.msk.f32 $0xffff, v1, v3;
	v3 =	vld [tilespmem:$0x1FFE0];
	_ =	sdelay $0x2  }
0x237: {  	v12 =	vld [tilespmem:s17+$0x130]  }
0x238: {  	v0 =	vld [tilespmem:s17+$0x170]  }
0x239: {  	v54, v56, _ =	vpop (xrf1);
	(xrf1) =	vsort.dscd.msk.f32 $0xffff, v2, v3;
	v2 =	vld [tilespmem:$0x1FFE0]  }
0x23a: {  	v5 =	vld [tilespmem:s17+$0xFFFFFE10]  }
0x23b: {  	v6 =	vld [tilespmem:s17+$0xFFFFFE90]  }
0x23c: {  	v4 =	vld [tilespmem:s17+$0xFFFFFE20]  }
0x23d: {  	v57, v60, _ =	vpop (xrf1);
	v1 =	vld [tilespmem:s17+$0xFFFFFE50]  }
0x23e: {  	v3 =	vld [tilespmem:s17+$0xFFFFFE60];
	(xrf1) =	vsort.dscd.msk.f32 $0xffff, v12, v2;
	v59, v2, _ =	vpop (xrf1)  }
0x23f: {  	[tilespmem:$0x1FA60] =	vst v2;
	v2 =	vld [tilespmem:$0x1FFE0];
	_ =	sdelay $0x4  }
0x240: {  	(xrf1) =	vsort.dscd.msk.f32 $0xffff, v0, v2;
	v7, v2, _ =	vpop (xrf1)  }
0x241: {  	v0 =	vld [tilespmem:s17+$0xFFFFFEA0];
	[tilespmem:$0x1FA70] =	vst v7  }
0x242: {  	[tilespmem:$0x1FA80] =	vst v2;
	(xrf1) =	vsort.dscd.msk.f32 $0xffff, v5, v28;
	v7, v2, _ =	vpop (xrf1)  }
0x243: {  	v5 =	vld [tilespmem:s17+$0xFFFFFED0];
	[tilespmem:$0x1FA90] =	vst v7;
	(xrf1) =	vsort.dscd.msk.f32 $0xffff, v4, v53  }
0x244: {  	[tilespmem:$0x1FAA0] =	vst v2;
	(xrf1) =	vsort.dscd.msk.f32 $0xffff, v1, v28;
	v2, v1, _ =	vpop (xrf1)  }
0x245: {  	v4 =	vld [tilespmem:s17+$0xFFFFFEE0];
	[tilespmem:$0x1FAB0] =	vst v2  }
0x246: {  	[tilespmem:$0x1FAC0] =	vst v1;
	(xrf1) =	vsort.dscd.msk.f32 $0xffff, v3, v53;
	v3, v2, _ =	vpop (xrf1)  }
0x247: {  	v1 =	vld [tilespmem:s17+$0xFFFFFF10];
	[tilespmem:$0x1FAD0] =	vst v3  }
0x248: {  	(xrf1) =	vsort.dscd.msk.f32 $0xffff, v6, v28;
	[tilespmem:$0x1FAE0] =	vst v2;
	v3, v2, _ =	vpop (xrf1)  }
0x249: {  	(xrf1) =	vsort.dscd.msk.f32 $0xffff, v0, v53;
	[tilespmem:$0x1FAF0] =	vst v3;
	v3, v6, _ =	vpop (xrf1)  }
0x24a: {  	[tilespmem:$0x1FB00] =	vst v2;
	(xrf1) =	vsort.dscd.msk.f32 $0xffff, v5, v28;
	v5 =	vperm.xlane v6, v52  }
0x24b: {  	v0 =	vld [tilespmem:s17+$0xFFFFFF20]  }
0x24c: {  	v3 =	vperm.xlane v3, v52;
	v6 =	vld [tilespmem:s17+$0xFFFFFF50]  }
0x24d: {  	(xrf1) =	vsort.dscd.msk.f32 $0xffff, v4, v53;
	v4, v7, _ =	vpop (xrf1)  }
0x24e: {  	v3 =	vsel vm0, v4, v3;
	v4 =	vsel vm0, v7, v5;
	(xrf1) =	vsort.dscd.msk.f32 $0xffff, v1, v28;
	v1 =	vld [tilespmem:s17+$0xFFFFFF60];
	v5, v7, _ =	vpop (xrf1)  }
0x24f: {  	(xrf1) =	vsort.dscd.msk.f32 $0xffff, v3, v4;
	v3 =	vperm.xlane v5, v52;
	v4 =	vperm.xlane v7, v52;
	v5 =	vld [tilespmem:s17+$0xFFFFFF90];
	v62, v2, _ =	vpop (xrf1)  }
0x250: {  	(xrf1) =	vsort.dscd.msk.f32 $0xffff, v0, v53;
	[tilespmem:$0x1FB10] =	vst v2;
	v7, v36, _ =	vpop (xrf1)  }
0x251: {  	(xrf1) =	vsort.dscd.msk.f32 $0xffff, v6, v28;
	v0 =	vld [tilespmem:s17+$0xFFFFFFA0];
	v3 =	vsel vm0, v7, v3;
	v4 =	vsel vm0, v36, v4  }
0x252: {  	v6 =	vld [tilespmem:s17+$0xFFFFFFD0];
	v58, v61, _ =	vpop (xrf1);
	(xrf1) =	vsort.dscd.msk.f32 $0xffff, v3, v4  }
0x253: {  	v3 =	vld [tilespmem:s17+$0xFFFFFFE0];
	v63, v2, _ =	vpop (xrf1);
	(xrf1) =	vsort.dscd.msk.f32 $0xffff, v1, v53  }
0x254: {  	v1 =	vld [tilespmem:s17+$0x10];
	[tilespmem:$0x1FB20] =	vst v2;
	(xrf1) =	vsort.dscd.msk.f32 $0xffff, v5, v28;
	v5, v2, _ =	vpop (xrf1)  }
0x255: {  	v4 =	vld [tilespmem:s17+$0x20];
	[tilespmem:$0x1FB30] =	vst v5  }
0x256: {  	[tilespmem:$0x1FB40] =	vst v2;
	v5, v2, _ =	vpop (xrf1)  }
0x257: {  	(xrf1) =	vsort.dscd.msk.f32 $0xffff, v0, v53;
	v0 =	vld [tilespmem:s17+$0x50];
	[tilespmem:$0x1FB60] =	vst v5  }
0x258: {  	(erf) = vrcp.f32 v11;
	[tilespmem:$0x1FB70] =	vst v2;
	(xrf1) =	vsort.dscd.msk.f32 $0xffff, v6, v28  }
0x259: {  	v5 =	vld [tilespmem:s17+$0x60];
	v10, v11, _ =	vpop (xrf1)  }
0x25a: {  	v6, v2, _ =	vpop (xrf1)  }
0x25b: {  	(xrf1) =	vsort.dscd.msk.f32 $0xffff, v3, v53;
	v3 =	vld [tilespmem:s17+$0x90];
	[tilespmem:$0x1FB80] =	vst v6  }
0x25c: {  	[tilespmem:$0x1FB90] =	vst v2;
	v12, v13, _ =	vpop (xrf1)  }
0x25d: {  	(xrf1) =	vsort.dscd.msk.f32 $0xffff, v1, v28;
	v1 =	vld [tilespmem:s17+$0xA0];
	v6, v2, _ =	vpop (xrf1)  }
0x25e: {  	(xrf1) =	vsort.dscd.msk.f32 $0xffff, v4, v53;
	v4 =	vld [tilespmem:s17+$0xD0];
	[tilespmem:$0x1FBA0] =	vst v6  }
0x25f: {  	[tilespmem:$0x1FBB0] =	vst v2;
	v14, v18, _ =	vpop (xrf1)  }
0x260: {  	(xrf1) =	vsort.dscd.msk.f32 $0xffff, v0, v28;
	v0 =	vld [tilespmem:s17+$0xE0];
	v6, v2, _ =	vpop (xrf1)  }
0x261: {  	(xrf1) =	vsort.dscd.msk.f32 $0xffff, v5, v53;
	v5 =	vld [tilespmem:s17+$0x110];
	[tilespmem:$0x1FBC0] =	vst v6  }
0x262: {  	[tilespmem:$0x1FBD0] =	vst v2;
	v19, v20, _ =	vpop (xrf1)  }
0x263: {  	(xrf1) =	vsort.dscd.msk.f32 $0xffff, v3, v28;
	v3 =	vld [tilespmem:s17+$0x120];
	v6, v2, _ =	vpop (xrf1)  }
0x264: {  	(xrf1) =	vsort.dscd.msk.f32 $0xffff, v1, v53;
	v1 =	vld [tilespmem:s17+$0x150];
	[tilespmem:$0x1FBE0] =	vst v6  }
0x265: {  	[tilespmem:$0x1FBF0] =	vst v2;
	v16, v2, _ =	vpop (xrf1)  }
0x266: {  	(xrf1) =	vsort.dscd.msk.f32 $0xffff, v4, v28;
	v4 =	vld [tilespmem:s17+$0x160];
	[tilespmem:$0x1FD10] =	vst v2;
	v21, v22, _ =	vpop (xrf1)  }
0x267: {  	(xrf1) =	vsort.dscd.msk.f32 $0xffff, v0, v53;
	v0 =	vld [tilespmem:s17+$0xFFFFFE00];
	v6, v2, _ =	vpop (xrf1)  }
0x268: {  	(xrf1) =	vsort.dscd.msk.f32 $0xffff, v5, v28;
	v5 =	vld [tilespmem:s17+$0xFFFFFE40];
	[tilespmem:$0x1FC00] =	vst v6  }
0x269: {  	[tilespmem:$0x1FC10] =	vst v2;
	v15, v2, _ =	vpop (xrf1)  }
0x26a: {  	(xrf1) =	vsort.dscd.msk.f32 $0xffff, v3, v53;
	v3 =	vld [tilespmem:s17+$0xFFFFFE80];
	[tilespmem:$0x1FD20] =	vst v2;
	v36, v24, _ =	vpop (xrf1)  }
0x26b: {  	(xrf1) =	vsort.dscd.msk.f32 $0xffff, v1, v28;
	v1 =	vld [tilespmem:s17+$0xFFFFFEC0];
	v6, v2, _ =	vpop (xrf1)  }
0x26c: {  	(xrf1) =	vsort.dscd.msk.f32 $0xffff, v4, v53;
	v4 =	vld [tilespmem:s17+$0xFFFFFF00];
	[tilespmem:$0x1FC20] =	vst v6  }
0x26d: {  	[tilespmem:$0x1FC30] =	vst v2;
	v26, v28, _ =	vpop (xrf1)  }
0x26e: {  	(xrf1) =	vsort.dscd.msk.f32 $0xffff, v0, v48;
	v0 =	vld [tilespmem:s17+$0xFFFFFF40];
	v6, v2, _ =	vpop (xrf1)  }
0x26f: {  	(xrf1) =	vsort.dscd.msk.f32 $0xffff, v5, v48;
	v5 =	vld [tilespmem:s17+$0xFFFFFF80];
	[tilespmem:$0x1FC40] =	vst v6  }
0x270: {  	[tilespmem:$0x1FC50] =	vst v2;
	v29, v30, _ =	vpop (xrf1)  }
0x271: {  	(xrf1) =	vsort.dscd.msk.f32 $0xffff, v3, v48;
	v3 =	vld [tilespmem:s17+$0xFFFFFFC0];
	v6, v2, _ =	vpop (xrf1)  }
0x272: {  	(xrf1) =	vsort.dscd.msk.f32 $0xffff, v1, v48;
	v1 =	vld [tilespmem:s17+$0x0];
	[tilespmem:$0x1FC60] =	vst v6  }
0x273: {  	[tilespmem:$0x1FC70] =	vst v2;
	v35, v7, _ =	vpop (xrf1)  }
0x274: {  	(xrf1) =	vsort.dscd.msk.f32 $0xffff, v4, v48;
	v4 =	vld [tilespmem:s17+$0x40];
	v6, v2, _ =	vpop (xrf1)  }
0x275: {  	(xrf1) =	vsort.dscd.msk.f32 $0xffff, v0, v48;
	v0 =	vld [tilespmem:s17+$0x80];
	[tilespmem:$0x1FC80] =	vst v6  }
0x276: {  	[tilespmem:$0x1FC90] =	vst v2;
	v6, v9, _ =	vpop (xrf1)  }
0x277: {  	(xrf1) =	vsort.dscd.msk.f32 $0xffff, v5, v48;
	v5 =	vld [tilespmem:s17+$0xC0];
	v40, v2, _ =	vpop (xrf1)  }
0x278: {  	(xrf1) =	vsort.dscd.msk.f32 $0xffff, v3, v48;
	v3 =	vld [tilespmem:s17+$0x100];
	[tilespmem:$0x1FCA0] =	vst v40  }
0x279: {  	[tilespmem:$0x1FCB0] =	vst v2  }
0x27a: {  	v2, v8, _ =	vpop (xrf1);
	(xrf1) =	vsort.dscd.msk.f32 $0xffff, v1, v48;
	v1 =	vld [tilespmem:s17+$0x140]  }
0x27b: {  	(xrf1) =	vsort.dscd.msk.f32 $0xffff, v4, v48;
	v40, v4, _ =	vpop (xrf1)  }
0x27c: {  	[tilespmem:$0x1FCD0] =	vst v4;
	(xrf1) =	vsort.dscd.msk.f32 $0xffff, v0, v48;
	v0 =	vperm.xlane v17, v52;
	v4 =	vperm.xlane v49, v52  }
0x27d: {  	v17, v49, _ =	vpop (xrf1);
	(xrf1) =	vsort.dscd.msk.f32 $0xffff, v5, v48  }
0x27e: {  	[tilespmem:$0x1FCC0] =	vst v40;
	v40, v5, _ =	vpop (xrf1);
	v0 =	vsel vm0, v10, v0;
	v4 =	vsel vm0, v11, v4;
	(xrf1) =	vsort.dscd.msk.f32 $0xffff, v3, v48  }
0x27f: {  	[tilespmem:$0x1FCE0] =	vst v5;
	v3, v5, _ =	vpop (xrf1);
	v10 =	vperm.xlane v55, v52;
	(xrf1) =	vsort.dscd.msk.f32 $0xffff, v1, v48;
	v1 =	vperm.xlane v50, v52  }
0x280: {  	v50, v55, _ =	vpop (xrf1);
	(xrf1) =	vsort.dscd.msk.f32 $0xffff, v0, v4;
	v0 =	vperm.xlane v54, v52  }
0x281: {  	v56 =	vperm.xlane v56, v52;
	v4 =	vsel vm0, v13, v10;
	v1 =	vsel vm0, v12, v1  }
0x282: {  	v11, v12, _ =	vpop (xrf1);
	(xrf1) =	vsort.dscd.msk.f32 $0xffff, v1, v4;
	v0 =	vsel vm0, v14, v0  }
0x283: {  	v1 =	vsel vm0, v18, v56;
	v4 =	vperm.xlane v57, v52;
	v57 =	vperm.xlane v60, v52  }
0x284: {  	v13, v14, _ =	vpop (xrf1);
	(xrf1) =	vsort.dscd.msk.f32 $0xffff, v0, v1;
	v0 =	vperm.xlane v59, v52;
	v59 =	vld [tilespmem:$0x1FA60]  }
0x285: {  	[tilespmem:$0x1FCF0] =	vst v50;
	v50 =	vld [tilespmem:$0x1FA80];
	v1 =	vsel vm0, v19, v4;
	v4 =	vsel vm0, v20, v57  }
0x286: {  	v18, v60, _ =	vpop (xrf1);
	(xrf1) =	vsort.dscd.msk.f32 $0xffff, v1, v4;
	v4 =	vld [tilespmem:$0x1FA70];
	_ =	sdelay $0x2  }
0x287: {  	v10 =	vperm.xlane v59, v52;
	_ =	sdelay $0x1  }
0x288: {  	v54 =	vld [tilespmem:$0x1FAA0];
	v1 =	vsel vm0, v22, v10;
	v4 =	vperm.xlane v4, v52;
	v10 =	vperm.xlane v50, v52  }
0x289: {  	v56 =	vld [tilespmem:$0x1FAC0];
	v0 =	vsel vm0, v21, v0  }
0x28a: {  	v20, v21, _ =	vpop (xrf1);
	(xrf1) =	vsort.dscd.msk.f32 $0xffff, v0, v1;
	v0 =	vld [tilespmem:$0x1FA90];
	v1 =	vsel vm0, v36, v4;
	v4 =	vsel vm0, v24, v10  }
0x28b: {  	v22, v36, _ =	vpop (xrf1);
	(xrf1) =	vsort.dscd.msk.f32 $0xffff, v1, v4;
	v4 =	vld [tilespmem:$0x1FAB0];
	_ =	sdelay $0x2  }
0x28c: {  	v10 =	vperm.xlane v54, v52  }
0x28d: {  	v0 =	vperm.xlane v0, v52  }
0x28e: {  	v57 =	vld [tilespmem:$0x1FAE0];
	v1 =	vsel vm0, v28, v10;
	v10 =	vperm.xlane v56, v52;
	v4 =	vperm.xlane v4, v52  }
0x28f: {  	v0 =	vsel vm0, v26, v0  }
0x290: {  	v24, v26, _ =	vpop (xrf1);
	(xrf1) =	vsort.dscd.msk.f32 $0xffff, v0, v1;
	v0 =	vld [tilespmem:$0x1FAD0];
	v1 =	vsel vm0, v29, v4;
	v4 =	vsel vm0, v30, v10  }
0x291: {  	v28, v29, _ =	vpop (xrf1);
	(xrf1) =	vsort.dscd.msk.f32 $0xffff, v1, v4;
	v4 =	vld [tilespmem:$0x1FAF0];
	_ =	sdelay $0x1  }
0x292: {  	v10 =	vperm.xlane v57, v52;
	_ =	sdelay $0x1  }
0x293: {  	v1 =	vsel vm0, v7, v10;
	v7 =	vld [tilespmem:$0x1FB00];
	v0 =	vperm.xlane v0, v52  }
0x294: {  	v4 =	vperm.xlane v4, v52  }
0x295: {  	v0 =	vsel vm0, v35, v0  }
0x296: {  	v10, v30, _ =	vpop (xrf1);
	(xrf1) =	vsort.dscd.msk.f32 $0xffff, v0, v1;
	v1 =	vsel vm0, v6, v4;
	v6 =	vld [tilespmem:$0x1FB10];
	_ =	sdelay $0x1  }
0x297: {  	v7 =	vperm.xlane v7, v52;
	_ =	sdelay $0x2  }
0x298: {  	v0 =	vperm.xlane v62, v52;
	v4 =	vsel vm0, v9, v7;
	v6 =	vperm.xlane v6, v52  }
0x299: {  	v7, v9, _ =	vpop (xrf1);
	(xrf1) =	vsort.dscd.msk.f32 $0xffff, v1, v4;
	v4 =	vperm.xlane v61, v52  }
0x29a: {  	v0 =	vsel vm0, v2, v0;
	v2 =	vperm.xlane v58, v52  }
0x29b: {  	v1 =	vsel vm0, v8, v6  }
0x29c: {  	v6, v8, _ =	vpop (xrf1);
	(xrf1) =	vsort.dscd.msk.f32 $0xffff, v0, v1;
	v0 =	vsel vm0, v17, v2;
	v1 =	vsel vm0, v49, v4  }
0x29d: {  	v4, v17, _ =	vpop (xrf1);
	(xrf1) =	vsort.dscd.msk.f32 $0xffff, v0, v1;
	v0 =	vld [tilespmem:$0x1FB20];
	_ =	sdelay $0x1  }
0x29e: {  	v2 =	vperm.xlane v63, v52;
	_ =	sdelay $0x1  }
0x29f: {  	v1 =	vsel vm0, v3, v2;
	v2 =	vld [tilespmem:$0x1FB30]  }
0x2a0: {  	v3 =	vld [tilespmem:$0x1FB40];
	v0 =	vperm.xlane v0, v52  }
0x2a1: {  	v58 =	vld [tilespmem:$0x1FB70]  }
0x2a2: {  	v59 =	vld [tilespmem:$0x1FB90];
	v0 =	vsel vm0, v5, v0  }
0x2a3: {  	v5, v35, _ =	vpop (xrf1);
	(xrf1) =	vsort.dscd.msk.f32 $0xffff, v1, v0;
	v0 =	vld [tilespmem:$0x1FB50]  }
0x2a4: {  	v2 =	vperm.xlane v2, v52;
	v1 =	vld [tilespmem:$0x1FB60]  }
0x2a5: {  	v3 =	vperm.xlane v3, v52  }
0x2a6: {  	v2 =	vsel vm0, v11, v2;
	v11 =	vperm.xlane v58, v52  }
0x2a7: {  	(xrf0) =	vmax.scan.msk.f32 $0xffff, v16;
	v3 =	vsel vm0, v12, v3  }
0x2a8: {  	v12, v50, _ =	vpop (xrf1);
	(xrf1) =	vsort.dscd.msk.f32 $0xffff, v2, v3;
	v2 =	vsel vm0, v14, v11;
	v11 =	vperm.xlane v59, v52  }
0x2a9: {  	v3 =	vld [tilespmem:$0x1FB80];
	v0 =	vbroadcast v0, $0xF;
	v1 =	vperm.xlane v1, v52  }
0x2aa: {  	v62 =	vld [tilespmem:$0x1FBD0]  }
0x2ab: {  	(xrf0) =	vmax.scan.msk.f32 $0xffff, v15;
	v11 =	vsel vm0, v60, v11;
	v60 =	vld [tilespmem:$0x1FBB0];
	(erf) = vrcp.f32 v0;
	v0 =	vsel vm0, v13, v1  }
0x2ac: {  	v13, v14, _ =	vpop (xrf1);
	(xrf1) =	vsort.dscd.msk.f32 $0xffff, v0, v2;
	v0 =	vld [tilespmem:$0x1FBA0];
	_ =	sdelay $0x1  }
0x2ad: {  	v3 =	vperm.xlane v3, v52;
	v1, _, _ =	vpop (xrf0)  }
0x2ae: {  	v1 =	vbroadcast v1, $0xF  }
0x2af: {  	v3 =	vsel vm0, v18, v3;
	v18 =	vperm.xlane v60, v52  }
0x2b0: {  	v2, _, _ =	vpop (xrf0);
	v1 =	vsub.f32 v16, v1;
	v16 =	vperm.xlane v62, v52;
	v0 =	vperm.xlane v0, v52  }
0x2b1: {  	v61 =	vld [tilespmem:$0x1FBC0];
	v19, v56, _ =	vpop (xrf1);
	(xrf1) =	vsort.dscd.msk.f32 $0xffff, v3, v11;
	v2 =	vbroadcast v2, $0xF  }
0x2b2: {  	v3 =	vsel vm0, v21, v18;
	v63 =	vsel vm0, v36, v16;
	v36 =	vld [tilespmem:$0x1FBF0];
	v0 =	vsel vm0, v20, v0  }
0x2b3: {  	v18, v20, _ =	vpop (xrf1);
	(xrf1) =	vsort.dscd.msk.f32 $0xffff, v0, v3;
	v0 =	vsub.f32 v15, v2;
	v2 =	vld [tilespmem:$0x1FBE0]  }
0x2b4: {  	v54 =	vld [tilespmem:$0x1FC10]  }
0x2b5: {  	v49 =	vld [tilespmem:$0x1FC00];
	v1 =	vmul.f32 $1.442695020e+00, v1  }
0x2b6: {  	v11 =	vperm.xlane v61, v52;
	v0 =	vmul.f32 $1.442695020e+00, v0  }
0x2b7: {  	v57 =	vld [tilespmem:$0x1FC30];
	v3 =	vpop (erf);
	(erf) = vpow2.f32 v1;
	v15 =	vperm.xlane v36, v52  }
0x2b8: {  	[tilespmem:$0x1FD00] =	vst v3;
	v3 =	vsel vm0, v22, v11;
	(erf) = vpow2.f32 v0;
	v0 =	vld [tilespmem:$0x1FC20];
	v2 =	vperm.xlane v2, v52  }
0x2b9: {  	v16, v21, _ =	vpop (xrf1);
	(xrf1) =	vsort.dscd.msk.f32 $0xffff, v3, v63;
	v3 =	vsel vm0, v26, v15;
	v15 =	vperm.xlane v54, v52  }
0x2ba: {  	v11 =	vperm.xlane v49, v52;
	v1 =	vsel vm0, v24, v2  }
0x2bb: {  	v22, v36, _ =	vpop (xrf1);
	(xrf1) =	vsort.dscd.msk.f32 $0xffff, v1, v3  }
0x2bc: {  	v58 =	vld [tilespmem:$0x1FC50];
	v1 =	vsel vm0, v28, v11;
	v3 =	vsel vm0, v29, v15;
	v11 =	vperm.xlane v57, v52  }
0x2bd: {  	v0 =	vperm.xlane v0, v52;
	v15, v24, _ =	vpop (xrf1);
	(xrf1) =	vsort.dscd.msk.f32 $0xffff, v1, v3;
	v3 =	vld [tilespmem:$0x1FC40];
	_ =	sdelay $0x1  }
0x2be: {  	v1 =	vsel vm0, v30, v11;
	v0 =	vsel vm0, v10, v0  }
0x2bf: {  	v11, v26, _ =	vpop (xrf1);
	(xrf1) =	vsort.dscd.msk.f32 $0xffff, v0, v1;
	v0 =	vld [tilespmem:$0x1FC60]  }
0x2c0: {  	v10 =	vperm.xlane v58, v52  }
0x2c1: {  	v3 =	vperm.xlane v3, v52;
	_ =	sdelay $0x1  }
0x2c2: {  	v1 =	vsel vm0, v7, v3;
	v7 =	vld [tilespmem:$0x1FC70]  }
0x2c3: {  	v3 =	vsel vm0, v9, v10;
	v0 =	vperm.xlane v0, v52  }
0x2c4: {  	v9, v10, _ =	vpop (xrf1);
	(xrf1) =	vsort.dscd.msk.f32 $0xffff, v1, v3;
	v3 =	vld [tilespmem:$0x1FC80]  }
0x2c5: {  	v0 =	vsel vm0, v6, v0;
	v6 =	vld [tilespmem:$0x1FC90];
	_ =	sdelay $0x1  }
0x2c6: {  	v7 =	vperm.xlane v7, v52;
	_ =	sdelay $0x2  }
0x2c7: {  	v3 =	vperm.xlane v3, v52;
	v1 =	vsel vm0, v8, v7;
	v6 =	vperm.xlane v6, v52  }
0x2c8: {  	v7, v8, _ =	vpop (xrf1);
	(xrf1) =	vsort.dscd.msk.f32 $0xffff, v0, v1;
	v0 =	vld [tilespmem:$0x1FCA0]  }
0x2c9: {  	v3 =	vsel vm0, v4, v3;
	v4 =	vsel vm0, v17, v6;
	v6 =	vld [tilespmem:$0x1FCB0];
	_ =	sdelay $0x3  }
0x2ca: {  	v0 =	vperm.xlane v0, v52  }
0x2cb: {  	v6 =	vperm.xlane v6, v52  }
0x2cc: {  	v60 =	vpop (erf);
	v0 =	vsel vm0, v5, v0;
	v5 =	vld [tilespmem:$0x1FCC0]  }
0x2cd: {  	v17, v28, _ =	vpop (xrf1);
	(xrf1) =	vsort.dscd.msk.f32 $0xffff, v3, v4;
	v4 =	vsel vm0, v35, v6;
	v6 =	vld [tilespmem:$0x1FCD0]  }
0x2ce: {  	v59 =	vld [tilespmem:$0x1FCE0];
	v63 =	vpop (erf)  }
0x2cf: {  	v49 =	vpop (erf)  }
0x2d0: {  	v62 =	vpop (erf)  }
0x2d1: {  	v2, _, _ =	vpop (xrf2);
	v5 =	vperm.xlane v5, v52  }
0x2d2: {  	v1 =	vpop (erf);
	v6 =	vperm.xlane v6, v52  }
0x2d3: {  	v61 =	vld [tilespmem:$0x1FCF0];
	v3 =	vpop (erf);
	v5 =	vsel vm0, v12, v5;
	v12 =	vperm.xlane v59, v52  }
0x2d4: {  	v29, v30, _ =	vpop (xrf1);
	(xrf1) =	vsort.dscd.msk.f32 $0xffff, v0, v4;
	v6 =	vsel vm0, v50, v6  }
0x2d5: {  	v0 =	vperm.xlane v40, v52;
	v4, v35, _ =	vpop (xrf1);
	(xrf1) =	vsort.dscd.msk.f32 $0xffff, v5, v6;
	v6 =	vsel vm0, v14, v12  }
0x2d6: {  	v40 =	vperm.xlane v55, v52;
	v50, v54, _ =	vpop (xrf1)  }
0x2d7: {  	v58 =	vnsel vm0, $0x0, v1;
	v0 =	vsel vm0, v13, v0;
	v1, v5, _ =	vpop (xrf1)  }
0x2d8: {  	v12 =	vperm.xlane v61, v52;
	(xrf1) =	vsort.dscd.msk.f32 $0xffff, v0, v6;
	v0 =	vbroadcast v2, $0xF;
	v14, v55, _ =	vpop (xrf1)  }
0x2d9: {  	v59 =	vnsel vm0, $0x0, v3;
	v61 =	vperm.xlane v20, v52;
	v2 =	vperm.xlane v18, v52;
	v3, v6, _ =	vpop (xrf1)  }
0x2da: {  	v57 =	vperm.xlane v16, v52;
	v13 =	vsel vm0, v56, v40;
	(erf) = vrcp.f32 v0;
	v40, v56, _ =	vpop (xrf1)  }
0x2db: {  	(xrf2) =	vadd.scan.msk.f32 $0xffff, v58;
	v0 =	vsel vm0, v40, v2;
	v2 =	vsel vm0, v56, v61;
	v61 =	vperm.xlane v21, v52  }
0x2dc: {  	(xrf2) =	vadd.scan.msk.f32 $0xffff, v59;
	v12 =	vsel vm0, v19, v12  }
0x2dd: {  	(xrf1) =	vsort.dscd.msk.f32 $0xffff, v12, v13;
	v21, _, _ =	vpop (xrf2);
	v56 =	vperm.xlane v36, v52  }
0x2de: {  	(xrf1) =	vsort.dscd.msk.f32 $0xffff, v0, v2;
	v0 =	vbroadcast v21, $0xF;
	v2 =	vperm.xlane v22, v52;
	v40, v22, _ =	vpop (xrf1)  }
0x2df: {  	v12 =	vsel vm0, v40, v57;
	v13 =	vsel vm0, v22, v61;
	v61, v57, _ =	vpop (xrf1)  }
0x2e0: {  	(erf) = vrcp.f32 v0;
	v0 =	vsel vm0, v61, v2;
	v2 =	vsel vm0, v57, v56;
	_ =	sdelay $0x2  }
0x2e1: {  	v21 =	vperm.xlane v15, v52;
	v22 =	vperm.xlane v24, v52;
	(xrf1) =	vsort.dscd.msk.f32 $0xffff, v12, v13  }
0x2e2: {  	v11 =	vperm.xlane v11, v52;
	(xrf1) =	vsort.dscd.msk.f32 $0xffff, v0, v2;
	v0, v2, _ =	vpop (xrf1)  }
0x2e3: {  	v9 =	vperm.xlane v9, v52;
	v24, _, _ =	vpop (xrf2);
	v0 =	vsel vm0, v0, v21;
	v2 =	vsel vm0, v2, v22  }
0x2e4: {  	v10 =	vperm.xlane v10, v52;
	v40, _, _ =	vpop (xrf2);
	(xrf1) =	vsort.dscd.msk.f32 $0xffff, v0, v2;
	v2 =	vperm.xlane v26, v52  }
0x2e5: {  	v7 =	vperm.xlane v7, v52;
	v0 =	vbroadcast v24, $0xF;
	v36, v26, _ =	vpop (xrf1)  }
0x2e6: {  	v8 =	vperm.xlane v8, v52;
	v11 =	vsel vm0, v36, v11;
	v57, v56, _ =	vpop (xrf1);
	v2 =	vsel vm0, v26, v2  }
0x2e7: {  	(erf) = vrcp.f32 v0;
	v0 =	vsel vm0, v57, v9;
	v61, v13, _ =	vpop (xrf1);
	(xrf1) =	vsort.dscd.msk.f32 $0xffff, v11, v2;
	v2 =	vsel vm0, v56, v10  }
0x2e8: {  	(xrf1) =	vsort.dscd.msk.f32 $0xffff, v0, v2;
	v0 =	vsel vm0, v61, v7;
	v2 =	vsel vm0, v13, v8;
	v7 =	vbroadcast v40, $0xF  }
0x2e9: {  	(xrf1) =	vsort.dscd.msk.f32 $0xffff, v0, v2;
	v2 =	vperm.xlane v28, v52  }
0x2ea: {  	(erf) = vrcp.f32 v7;
	v7 =	vperm.xlane v29, v52  }
0x2eb: {  	v16, v15, _ =	vpop (xrf1)  }
0x2ec: {  	v0 =	vperm.xlane v17, v52;
	v2 =	vsel vm0, v15, v2  }
0x2ed: {  	v4 =	vperm.xlane v4, v52;
	v17 =	vperm.xlane v30, v52  }
0x2ee: {  	v20 =	vperm.xlane v35, v52;
	v1 =	vperm.xlane v1, v52;
	v19, v18, _ =	vpop (xrf1);
	v0 =	vsel vm0, v16, v0  }
0x2ef: {  	v8 =	vsel vm0, v18, v17;
	(xrf1) =	vsort.dscd.msk.f32 $0xffff, v0, v2;
	v0 =	vsel vm0, v19, v7;
	v2, v7, _ =	vpop (xrf1)  }
0x2f0: {  	v22, v21, _ =	vpop (xrf1);
	(xrf1) =	vsort.dscd.msk.f32 $0xffff, v0, v8;
	v2 =	vsel vm0, v2, v4;
	v4 =	vsel vm0, v7, v20  }
0x2f1: {  	v7 =	vperm.xlane v50, v52;
	(xrf1) =	vsort.dscd.msk.f32 $0xffff, v2, v4;
	v2 =	vperm.xlane v54, v52  }
0x2f2: {  	v5 =	vperm.xlane v5, v52;
	v57 =	vperm.xlane v14, v52  }
0x2f3: {  	v18 =	vperm.xlane v55, v52;
	v0, v8, _ =	vpop (xrf1);
	v7 =	vsel vm0, v22, v7;
	v2 =	vsel vm0, v21, v2  }
0x2f4: {  	v24, v26, _ =	vpop (xrf1);
	v0 =	vsel vm0, v0, v1;
	v1 =	vsel vm0, v8, v5;
	(xrf1) =	vsort.dscd.msk.f32 $0xffff, v7, v2  }
0x2f5: {  	(xrf1) =	vsort.dscd.msk.f32 $0xffff, v0, v1;
	v0 =	vsel vm0, v24, v57  }
0x2f6: {  	v4, v35, _ =	vpop (xrf1);
	v1 =	vsel vm0, v26, v18  }
0x2f7: {  	v36, v56, _ =	vpop (xrf1);
	v2 =	vperm.xlane v6, v52;
	(xrf1) =	vsort.dscd.msk.f32 $0xffff, v0, v1;
	v1 =	vperm.xlane v3, v52  }
0x2f8: {  	(xrf0) =	vmax.scan.msk.f32 $0xffff, v36;
	v0, v57, _ =	vpop (xrf1)  }
0x2f9: {  	v2 =	vsel vm0, v35, v2;
	v1 =	vsel vm0, v4, v1;
	(xrf0) =	vmax.scan.msk.f32 $0xffff, v0  }
0x2fa: {  	v3, v55, _ =	vpop (xrf1);
	(xrf1) =	vsort.dscd.msk.f32 $0xffff, v1, v2  }
0x2fb: {  	(xrf0) =	vmax.scan.msk.f32 $0xffff, v3;
	v5, v54, _ =	vpop (xrf1)  }
0x2fc: {  	(xrf0) =	vmax.scan.msk.f32 $0xffff, v5;
	v1, v26, _ =	vpop (xrf1)  }
0x2fd: {  	(xrf0) =	vmax.scan.msk.f32 $0xffff, v1;
	_ =	sdelay $0x1  }
0x2fe: {  	v4, _, _ =	vpop (xrf0)  }
0x2ff: {  	v4 =	vbroadcast v4, $0xF;
	v19, _, _ =	vpop (xrf0)  }
0x300: {  	v12 =	vbroadcast v19, $0xF;
	v20, _, _ =	vpop (xrf0)  }
0x301: {  	v14 =	vmul.f32 v51, v45;
	v4 =	vsub.f32 v36, v4;
	v21, _, _ =	vpop (xrf0);
	v13 =	vbroadcast v20, $0xF  }
0x302: {  	v40 =	vld [tilespmem:$0x1FF80];
	v17 =	vmul.f32 v60, v46;
	v0 =	vsub.f32 v0, v12;
	v24, _, _ =	vpop (xrf0);
	v15 =	vbroadcast v21, $0xF  }
0x303: {  	v22 =	vld [tilespmem:$0x1FD00];
	v4 =	vmul.f32 $1.442695020e+00, v4;
	v3 =	vsub.f32 v3, v13;
	v51 =	vbroadcast v24, $0xF  }
0x304: {  	v13 =	vmul.f32 v49, v44;
	v49 =	vld [tilespmem:$0x1FD10];
	v0 =	vmul.f32 $1.442695020e+00, v0;
	v5 =	vsub.f32 v5, v15  }
0x305: {  	v11 =	vpop (erf);
	v28 =	vld [tilespmem:$0x1FFD0];
	(erf) = vpow2.f32 v4;
	v3 =	vmul.f32 $1.442695020e+00, v3;
	v1 =	vsub.f32 v1, v51  }
0x306: {  	v30 =	vld [tilespmem:$0x1FFC0];
	(erf) = vpow2.f32 v0;
	v5 =	vmul.f32 $1.442695020e+00, v5  }
0x307: {  	v61 =	vpop (erf);
	v29 =	vld [tilespmem:$0x1FFB0];
	(erf) = vpow2.f32 v3;
	v1 =	vmul.f32 $1.442695020e+00, v1  }
0x308: {  	s16 =	sshll.u32 s16, $0x7;
	v60 =	vld [tilespmem:$0x1FF70];
	v9 =	vpop (erf);
	v16 =	vmul.f32 v22, v47;
	(erf) = vpow2.f32 v5  }
0x309: {  	s22 =	sadd.s32 $0x380, s16;
	v8 =	vpop (erf);
	v36 =	vld [tilespmem:$0x1FFA0];
	[tilespmem:v38+s9+$0x0] =	vst.idx.msk $0xff, v14;
	(erf) = vpow2.f32 v1;
	v1 =	vand.u32 $0xFFFFFF80, v49  }
0x30a: {  	v22 =	vmul.f32 v62, v42;
	[tilespmem:v39+s10+$0x0] =	vst.idx.msk $0xff, v16;
	v62 =	vand.u32 $0x7F, v49;
	v1 =	vadd.s32 s22, v1  }
0x30b: {  	v1 =	vor.u32 v62, v1;
	v62 =	vld [tilespmem:$0x1FE40];
	_ =	sdelay $0x7  }
0x30c: {  	[tilespmem:v62+s11+$0x0] =	vst.idx.msk $0xff, v33  }
0x30d: {  	[tilespmem:v62+s12+$0x0] =	vst.idx.msk $0xff, v34  }
0x30e: {  	v16 =	vld [tilespmem:$0x1FEE0];
	_ =	sdelay $0x6  }
0x30f: {  	v20 =	vmul.f32 v63, v43  }
0x310: {  	[tilespmem:v16+s9+$0x0] =	vst.idx.msk $0xff, v17  }
0x311: {  	v6, v2, _ =	vpop (xrf1);
	[tilespmem:v41+s10+$0x0] =	vst.idx.msk $0xff, v20  }
0x312: {  	(xrf0) =	vmax.scan.msk.f32 $0xffff, v6;
	v24 =	vld [tilespmem:$0x1FE50];
	_ =	sdelay $0x1  }
0x313: {  	v7, v50, _ =	vpop (xrf1)  }
0x314: {  	(xrf0) =	vmax.scan.msk.f32 $0xffff, v7;
	_ =	sdelay $0x1  }
0x315: {  	v12, v45, _ =	vpop (xrf1)  }
0x316: {  	v35, _, _ =	vpop (xrf0);
	(xrf0) =	vmax.scan.msk.f32 $0xffff, v12  }
0x317: {  	v19 =	vbroadcast v35, $0xF  }
0x318: {  	(xrf2) =	vadd.scan.msk.f32 $0xffff, v40;
	v0, v44, _ =	vpop (xrf1);
	[tilespmem:v24+s11+$0x0] =	vst.idx.msk $0xff, v31  }
0x319: {  	v4, _, _ =	vpop (xrf0);
	v6 =	vsub.f32 v6, v19;
	(xrf0) =	vmax.scan.msk.f32 $0xffff, v0;
	[tilespmem:v24+s12+$0x0] =	vst.idx.msk $0xff, v32  }
0x31a: {  	(xrf2) =	vadd.scan.msk.f32 $0xffff, v36;
	v18, v46, _ =	vpop (xrf1);
	v33 =	vld [tilespmem:$0x1FD20];
	[tilespmem:v37+s9+$0x0] =	vst.idx.msk $0xff, v13  }
0x31b: {  	(xrf2) =	vadd.scan.msk.f32 $0xffff, v29;
	v6 =	vmul.f32 $1.442695020e+00, v6;
	v21, v43, _ =	vpop (xrf1);
	[tilespmem:v23+s10+$0x0] =	vst.idx.msk $0xff, v22  }
0x31c: {  	(xrf0) =	vmax.scan.msk.f32 $0xffff, v18;
	v3, _, _ =	vpop (xrf0);
	v17 =	vld [tilespmem:$0x1FE60]  }
0x31d: {  	(xrf0) =	vmax.scan.msk.f32 $0xffff, v21;
	v5, v35, _ =	vpop (xrf1)  }
0x31e: {  	v4 =	vbroadcast v4, $0xF;
	(xrf0) =	vmax.scan.msk.f32 $0xffff, v5;
	v15, v42, _ =	vpop (xrf1)  }
0x31f: {  	(erf) = vpow2.f32 v6;
	v3 =	vbroadcast v3, $0xF;
	(xrf0) =	vmax.scan.msk.f32 $0xffff, v15;
	v6, _, _ =	vpop (xrf0)  }
0x320: {  	v4 =	vsub.f32 v7, v4;
	v6 =	vbroadcast v6, $0xF  }
0x321: {  	v3 =	vsub.f32 v12, v3  }
0x322: {  	v11 =	vmul.f32 v11, v60;
	v4 =	vmul.f32 $1.442695020e+00, v4;
	v63, _, _ =	vpop (xrf0)  }
0x323: {  	(xrf2) =	vadd.scan.msk.f32 $0xffff, v30;
	v3 =	vmul.f32 $1.442695020e+00, v3;
	v51 =	vbroadcast v63, $0xF;
	v60, _, _ =	vpop (xrf0)  }
0x324: {  	(erf) = vpow2.f32 v4;
	v0 =	vsub.f32 v0, v6;
	v4 =	vbroadcast v60, $0xF;
	v6, _, _ =	vpop (xrf0);
	[tilespmem:v17+s11+$0x0] =	vst.idx.msk $0xff, v27  }
0x325: {  	(erf) = vpow2.f32 v3;
	v12 =	vsub.f32 v18, v51;
	v3 =	vbroadcast v6, $0xF;
	v6, _, _ =	vpop (xrf0);
	[tilespmem:v17+s12+$0x0] =	vst.idx.msk $0xff, v25  }
0x326: {  	v4 =	vsub.f32 v21, v4;
	v0 =	vmul.f32 $1.442695020e+00, v0;
	v6 =	vbroadcast v6, $0xF;
	v17 =	vld [tilespmem:$0x1FF00]  }
0x327: {  	v10, _, _ =	vpop (xrf2);
	v3 =	vsub.f32 v5, v3;
	v5 =	vmul.f32 $1.442695020e+00, v12  }
0x328: {  	v7, _, _ =	vpop (xrf2);
	v4 =	vmul.f32 $1.442695020e+00, v4;
	v6 =	vsub.f32 v15, v6;
	v34 =	vand.u32 $0xFFFFFF80, v33  }
0x329: {  	v21, _, _ =	vpop (xrf2);
	v3 =	vmul.f32 $1.442695020e+00, v3;
	v38 =	vand.u32 $0x7F, v33;
	v15 =	vadd.s32 s22, v34  }
0x32a: {  	(erf) = vpow2.f32 v0;
	v0 =	vpop (erf);
	v6 =	vmul.f32 $1.442695020e+00, v6;
	v13 =	vor.u32 v38, v15  }
0x32b: {  	v9 =	vmul.f32 v9, v58;
	(erf) = vpow2.f32 v5;
	v5 =	vpop (erf);
	v41 =	vor.u32 s22, v48  }
0x32c: {  	(erf) = vpow2.f32 v4;
	v4 =	vpop (erf)  }
0x32d: {  	v8 =	vmul.f32 v8, v59;
	(erf) = vpow2.f32 v3;
	v3 =	vpop (erf);
	[tilespmem:v1+s9+$0x0] =	vst.idx.msk $0xff, v9  }
0x32e: {  	(erf) = vpow2.f32 v6;
	v6, _, _ =	vpop (xrf2);
	[tilespmem:v17+s9+$0x0] =	vst.idx.msk $0xff, v11  }
0x32f: {  	v1 =	vbroadcast v6, $0xF;
	v6 =	vld [tilespmem:$0x1FF90];
	[tilespmem:v13+s10+$0x0] =	vst.idx.msk $0xff, v8  }
0x330: {  	[tilespmem:v41+s11+$0x0] =	vst.idx.msk $0xff, v49  }
0x331: {  	[tilespmem:v41+s12+$0x0] =	vst.idx.msk $0xff, v33  }
0x332: {  	v9 =	vld [tilespmem:$0x1FF10];
	_ =	sdelay $0x1  }
0x333: {  	v19, v47, _ =	vpop (xrf1)  }
0x334: {  	(xrf0) =	vmax.scan.msk.f32 $0xffff, v19;
	_ =	sdelay $0x2  }
0x335: {  	v6 =	vmul.f32 v61, v6;
	_ =	sdelay $0x1  }
0x336: {  	[tilespmem:v9+s10+$0x0] =	vst.idx.msk $0xff, v6  }
0x337: {  	v63, _, _ =	vpop (xrf0);
	v20 =	vld [tilespmem:$0x1FE70]  }
0x338: {  	v18 =	vbroadcast v63, $0xF;
	_ =	sdelay $0x1  }
0x339: {  	v12 =	vsub.f32 v19, v18;
	v18 =	vld [tilespmem:$0x1FEA0];
	_ =	sdelay $0x4  }
0x33a: {  	v12 =	vmul.f32 $1.442695020e+00, v12;
	[tilespmem:v20+s11+$0x0] =	vst.idx.msk $0xff, v18  }
0x33b: {  	v10 =	vbroadcast v10, $0xF;
	v7 =	vbroadcast v7, $0xF;
	v33 =	vld [tilespmem:$0x1FEB0]  }
0x33c: {  	v39 =	vpop (erf);
	(erf) = vpow2.f32 v12  }
0x33d: {  	v51 =	vpop (erf);
	(erf) = vrcp.f32 v10  }
0x33e: {  	v58 =	vpop (erf)  }
0x33f: {  	(erf) = vrcp.f32 v7;
	v7 =	vpop (erf)  }
0x340: {  	v59 =	vbroadcast v21, $0xF;
	v60 =	vpop (erf);
	[tilespmem:v20+s12+$0x0] =	vst.idx.msk $0xff, v33  }
0x341: {  	v62 =	vpop (erf);
	v23 =	vld [tilespmem:$0x1FF20]  }
0x342: {  	(erf) = vrcp.f32 v59;
	v11 =	vpop (erf)  }
0x343: {  	(erf) = vrcp.f32 v1;
	v1 =	vpop (erf)  }
0x344: {  	v12 =	vpop (erf)  }
0x345: {  	v19 =	vpop (erf);
	v6 =	vand.u32 $0xFFFFFF80, v56  }
0x346: {  	v63 =	vand.u32 $0x7F, v56;
	v0 =	vnsel vm0, $0x0, v0;
	v37 =	vpop (erf);
	v6 =	vadd.s32 s16, v6  }
0x347: {  	v15 =	vor.u32 v63, v6;
	v6 =	vnsel vm0, $0x0, v7;
	v7 =	vmul.f32 v37, v40  }
0x348: {  	(xrf2) =	vadd.scan.msk.f32 $0xffff, v0  }
0x349: {  	[tilespmem:v23+s9+$0x0] =	vst.idx.msk $0xff, v7  }
0x34a: {  	v7 =	vld [tilespmem:$0x1FF40];
	_ =	sdelay $0x4  }
0x34b: {  	v38 =	vpop (erf)  }
0x34c: {  	v10 =	vmul.f32 v38, v36;
	_ =	sdelay $0x1  }
0x34d: {  	v25, _, _ =	vpop (xrf2);
	[tilespmem:v7+s10+$0x0] =	vst.idx.msk $0xff, v10  }
0x34e: {  	v17 =	vbroadcast v25, $0xF;
	v25 =	vld [tilespmem:$0x1FE80];
	_ =	sdelay $0x1  }
0x34f: {  	v24 =	vand.u32 $0xFFFFFF80, v57  }
0x350: {  	v16 =	vadd.s32 s16, v24;
	v24 =	vld [tilespmem:$0x1FEC0];
	_ =	sdelay $0x4  }
0x351: {  	[tilespmem:v25+s11+$0x0] =	vst.idx.msk $0xff, v24  }
0x352: {  	v27 =	vld [tilespmem:$0x1FED0];
	_ =	sdelay $0x4  }
0x353: {  	[tilespmem:v25+s12+$0x0] =	vst.idx.msk $0xff, v27  }
0x354: {  	v5 =	vnsel vm0, $0x0, v5;
	v27 =	vld [tilespmem:$0x1FF50]  }
0x355: {  	(xrf2) =	vadd.scan.msk.f32 $0xffff, v5;
	v4 =	vnsel vm0, $0x0, v4  }
0x356: {  	v3 =	vnsel vm0, $0x0, v3;
	(xrf2) =	vadd.scan.msk.f32 $0xffff, v4  }
0x357: {  	(xrf2) =	vadd.scan.msk.f32 $0xffff, v3  }
0x358: {  	v8 =	vnsel vm0, $0x0, v39  }
0x359: {  	(xrf2) =	vadd.scan.msk.f32 $0xffff, v8;
	v9 =	vnsel vm0, $0x0, v51;
	v51 =	vpop (erf)  }
0x35a: {  	v10 =	vnsel vm0, $0x0, v62;
	v62 =	vmul.f32 v51, v29;
	_ =	sdelay $0x1  }
0x35b: {  	[tilespmem:v27+s9+$0x0] =	vst.idx.msk $0xff, v62  }
0x35c: {  	(xrf2) =	vadd.scan.msk.f32 $0xffff, v9;
	v38 =	vld [tilespmem:$0x1FF60]  }
0x35d: {  	v21 =	vnsel vm0, $0x0, v58  }
0x35e: {  	(erf) = vrcp.f32 v17;
	(xrf2) =	vadd.scan.msk.f32 $0xffff, v21;
	v40, _, _ =	vpop (xrf2)  }
0x35f: {  	v32 =	vand.u32 $0x7F, v57;
	(xrf2) =	vadd.scan.msk.f32 $0xffff, v6;
	v49 =	vbroadcast v40, $0xF;
	v61, _, _ =	vpop (xrf2)  }
0x360: {  	v13 =	vbroadcast v61, $0xF;
	v63, _, _ =	vpop (xrf2)  }
0x361: {  	v16 =	vor.u32 v32, v16;
	v59 =	vpop (erf);
	(erf) = vrcp.f32 v49;
	v22 =	vbroadcast v63, $0xF  }
0x362: {  	v14 =	vmul.f32 v59, v30;
	v32, _, _ =	vpop (xrf2);
	(erf) = vrcp.f32 v13;
	v7 =	vnsel vm0, $0x0, v60  }
0x363: {  	(erf) = vrcp.f32 v22;
	v23 =	vbroadcast v32, $0xF;
	(xrf2) =	vadd.scan.msk.f32 $0xffff, v7  }
0x364: {  	v39 =	vand.u32 $0x7F, v55;
	[tilespmem:v38+s10+$0x0] =	vst.idx.msk $0xff, v14  }
0x365: {  	s23 =	sadd.s32 $0x80, s16;
	v34 =	vand.u32 $0xFFFFFF80, v55;
	v41 =	vand.u32 $0xFFFFFF80, v54;
	(erf) = vrcp.f32 v23;
	(xrf2) =	vadd.scan.msk.f32 $0xffff, v10;
	v25 =	vld [tilespmem:$0x1FE90]  }
0x366: {  	v58 =	vand.u32 $0x7F, v54;
	v20 =	vadd.s32 s23, v34;
	v33, _, _ =	vpop (xrf2)  }
0x367: {  	v17 =	vor.u32 v39, v20;
	v39 =	vpop (erf);
	v60 =	vadd.s32 s23, v41  }
0x368: {  	v37 =	vbroadcast v33, $0xF;
	v41, _, _ =	vpop (xrf2);
	v40 =	vld [tilespmem:$0x1FEF0]  }
0x369: {  	v34 =	vand.u32 $0xFFFFFF80, v26;
	v18 =	vor.u32 v58, v60;
	v51 =	vbroadcast v41, $0xF;
	v58, _, _ =	vpop (xrf2)  }
0x36a: {  	v11 =	vnsel vm0, $0x0, v11;
	(erf) = vrcp.f32 v37;
	v60 =	vpop (erf)  }
0x36b: {  	s18 =	sadd.s32 $0x100, s16;
	v1 =	vnsel vm0, $0x0, v1;
	v12 =	vnsel vm0, $0x0, v12;
	(xrf2) =	vadd.scan.msk.f32 $0xffff, v11;
	(erf) = vrcp.f32 v51;
	v32 =	vpop (erf)  }
0x36c: {  	v36 =	vand.u32 $0x7F, v26;
	v13 =	vadd.s32 s18, v34;
	v0 =	vmul.f32 v39, v0;
	(xrf2) =	vadd.scan.msk.f32 $0xffff, v1;
	v34 =	vpop (erf)  }
0x36d: {  	v13 =	vor.u32 v36, v13;
	v23 =	vbroadcast v58, $0xF;
	v61, _, _ =	vpop (xrf2);
	(xrf2) =	vadd.scan.msk.f32 $0xffff, v12;
	[tilespmem:v25+s11+$0x0] =	vst.idx.msk $0xff, v40  }
0x36e: {  	v59 =	vand.u32 $0x7F, v2;
	v4 =	vmul.f32 v32, v4;
	v37 =	vpop (erf);
	v27 =	vld [tilespmem:$0x1FF30];
	[tilespmem:v15+s9+$0x0] =	vst.idx.msk $0xff, v0;
	v15 =	vnsel vm0, $0x0, v19  }
0x36f: {  	v49 =	vand.u32 $0xFFFFFF80, v2;
	v5 =	vmul.f32 v60, v5;
	(erf) = vrcp.f32 v23;
	v63, _, _ =	vpop (xrf2);
	(xrf2) =	vadd.scan.msk.f32 $0xffff, v15  }
0x370: {  	v22 =	vadd.s32 s18, v49;
	v8 =	vmul.f32 v37, v8;
	v24 =	vor.u32 s16, v48;
	[tilespmem:v17+s9+$0x0] =	vst.idx.msk $0xff, v4  }
0x371: {  	v3 =	vmul.f32 v34, v3;
	[tilespmem:v16+s10+$0x0] =	vst.idx.msk $0xff, v5;
	v5 =	vor.u32 v59, v22  }
0x372: {  	v33 =	vor.u32 s18, v48;
	[tilespmem:v13+s9+$0x0] =	vst.idx.msk $0xff, v8  }
0x373: {  	v39 =	vpop (erf);
	v14 =	vbroadcast v61, $0xF;
	[tilespmem:v18+s10+$0x0] =	vst.idx.msk $0xff, v3  }
0x374: {  	v9 =	vmul.f32 v39, v9;
	v51 =	vpop (erf);
	v20 =	vbroadcast v63, $0xF;
	[tilespmem:v25+s12+$0x0] =	vst.idx.msk $0xff, v27;
	v25 =	vor.u32 s23, v48  }
0x375: {  	s19 =	sadd.s32 $0x180, s16;
	v36 =	vand.u32 $0xFFFFFF80, v45;
	v41 =	vand.u32 $0x7F, v44;
	(erf) = vrcp.f32 v14;
	v40, _, _ =	vpop (xrf2);
	[tilespmem:v24+s11+$0x0] =	vst.idx.msk $0xff, v56  }
0x376: {  	v62 =	vand.u32 $0x7F, v50;
	v38 =	vadd.s32 s19, v36;
	(erf) = vrcp.f32 v20;
	v49, _, _ =	vpop (xrf2);
	[tilespmem:v5+s10+$0x0] =	vst.idx.msk $0xff, v9  }
0x377: {  	s24 =	sadd.s32 $0x200, s16;
	v0 =	vand.u32 $0xFFFFFF80, v50;
	v4 =	vand.u32 $0x7F, v45;
	v58, _, _ =	vpop (xrf2);
	v5 =	vand.u32 $0xFFFFFF80, v46;
	[tilespmem:v33+s11+$0x0] =	vst.idx.msk $0xff, v26  }
0x378: {  	v17 =	vbroadcast v40, $0xF;
	v59 =	vand.u32 $0x7F, v46;
	v56 =	vpop (erf);
	v5 =	vadd.s32 s24, v5;
	[tilespmem:v33+s12+$0x0] =	vst.idx.msk $0xff, v2  }
0x379: {  	v0 =	vadd.s32 s19, v0;
	v2 =	vor.u32 v59, v5;
	v5 =	vmul.f32 v56, v6;
	[tilespmem:v25+s11+$0x0] =	vst.idx.msk $0xff, v55;
	v60, _, _ =	vpop (xrf2)  }
0x37a: {  	v0 =	vor.u32 v62, v0;
	[tilespmem:v25+s12+$0x0] =	vst.idx.msk $0xff, v54;
	v54 =	vbroadcast v49, $0xF;
	v6 =	vbroadcast v60, $0xF  }
0x37b: {  	v3 =	vor.u32 v4, v38;
	(erf) = vrcp.f32 v17;
	v14 =	vbroadcast v58, $0xF  }
0x37c: {  	v4 =	vand.u32 $0xFFFFFF80, v44;
	v55 =	vor.u32 s19, v48;
	(erf) = vrcp.f32 v54  }
0x37d: {  	v4 =	vadd.s32 s24, v4;
	[tilespmem:v24+s12+$0x0] =	vst.idx.msk $0xff, v57;
	v57 =	vmul.f32 v51, v21;
	(erf) = vrcp.f32 v14  }
0x37e: {  	v4 =	vor.u32 v41, v4;
	(erf) = vrcp.f32 v6;
	v6 =	vpop (erf)  }
0x37f: {  	s25 =	sadd.s32 $0x280, s16;
	v61 =	vand.u32 $0xFFFFFF80, v43;
	[tilespmem:v0+s9+$0x0] =	vst.idx.msk $0xff, v57;
	v0 =	vor.u32 s24, v48;
	v6 =	vmul.f32 v6, v7;
	v7 =	vpop (erf)  }
0x380: {  	[tilespmem:v3+s10+$0x0] =	vst.idx.msk $0xff, v5;
	v3 =	vand.u32 $0x7F, v43;
	v5 =	vadd.s32 s25, v61;
	v7 =	vmul.f32 v7, v10  }
0x381: {  	v3 =	vor.u32 v3, v5;
	v5 =	vand.u32 $0xFFFFFF80, v35;
	[tilespmem:v55+s11+$0x0] =	vst.idx.msk $0xff, v50  }
0x382: {  	v62 =	vand.u32 $0x7F, v35;
	v5 =	vadd.s32 s25, v5;
	[tilespmem:v55+s12+$0x0] =	vst.idx.msk $0xff, v45  }
0x383: {  	s16 =	sadd.s32 $0x300, s16;
	v5 =	vor.u32 v62, v5;
	[tilespmem:v4+s9+$0x0] =	vst.idx.msk $0xff, v6;
	v4 =	vand.u32 $0xFFFFFF80, v42  }
0x384: {  	v6 =	vor.u32 s25, v48;
	[tilespmem:v2+s10+$0x0] =	vst.idx.msk $0xff, v7;
	v2 =	vand.u32 $0x7F, v42;
	v4 =	vadd.s32 s16, v4;
	v7 =	vpop (erf)  }
0x385: {  	v2 =	vor.u32 v2, v4;
	[tilespmem:v0+s11+$0x0] =	vst.idx.msk $0xff, v44;
	v4 =	vand.u32 $0xFFFFFF80, v47;
	v7 =	vmul.f32 v7, v11;
	v63 =	vpop (erf)  }
0x386: {  	[tilespmem:v0+s12+$0x0] =	vst.idx.msk $0xff, v46;
	v4 =	vadd.s32 s16, v4;
	v0 =	vmul.f32 v63, v1;
	v1 =	vand.u32 $0x7F, v47  }
0x387: {  	[tilespmem:v3+s9+$0x0] =	vst.idx.msk $0xff, v7;
	v1 =	vor.u32 v1, v4  }
0x388: {  	v3 =	vpop (erf);
	[tilespmem:v5+s10+$0x0] =	vst.idx.msk $0xff, v0;
	v0 =	vor.u32 s16, v48  }
0x389: {  	v3 =	vmul.f32 v3, v12;
	v4 =	vpop (erf);
	[tilespmem:v6+s11+$0x0] =	vst.idx.msk $0xff, v43  }
0x38a: {  	v4 =	vmul.f32 v4, v15;
	[tilespmem:v6+s12+$0x0] =	vst.idx.msk $0xff, v35  }
0x38b: {  	[tilespmem:v2+s9+$0x0] =	vst.idx.msk $0xff, v3  }
0x38c: {  	[tilespmem:v1+s10+$0x0] =	vst.idx.msk $0xff, v4  }
0x38d: {  	v4 =	vld [tilespmem:$0x1FFE0];
	[tilespmem:v0+s11+$0x0] =	vst.idx.msk $0xff, v42  }
0x38e: {  	s26 =	sadd.s32 s4, s15;
	[tilespmem:v0+s12+$0x0] =	vst.idx.msk $0xff, v47  }
0x38f: {  	[hbm4b:s26+s2] =	stream.linear.scatter [tilespmem:s9], [sflag:$0x1], $0x4000, $0x38;
	[tilespmem:$0x14000] =	vst v63  }
0x390: {  	_ =	swait.ge [sflag:s8], $0x4000  }
0x391: {  	s28 =	sor.u32 $0x40000, s15;
	[sflag:s8] =	ssyncset.done $0x0  }
0x392: {  	s29 =	sadd.s32 s4, s28;
	[sflag:s8] =	ssyncadd.s32 $0xFFFFC000  }
0x393: {  	[hbm4b:s29+s2] =	stream.linear.scatter [tilespmem:s10], [sflag:$0x1], $0x4000, $0x38;
	[tilespmem:$0x14000] =	vst v63  }
0x394: {  	_ =	swait.ge [sflag:s8], $0x4000  }
0x395: {  	[sflag:s8] =	ssyncset.done $0x0  }
0x396: {  	s30 =	sadd.s32 s5, s15;
	[sflag:s8] =	ssyncadd.s32 $0xFFFFC000  }
0x397: {  	[hbm4b:s30+s2] =	stream.linear.scatter [tilespmem:s11], [sflag:$0x1], $0x4000, $0x38;
	[tilespmem:$0x14000] =	vst v63  }
0x398: {  	s14 =	sadd.s32 $0x1, s14;
	_ =	swait.ge [sflag:s8], $0x4000  }
0x399: {  	p0 =	sne.s32 s14, $0x4;
	[sflag:s8] =	ssyncset.done $0x0  }
.Ltmp2:
0x39a: {  	s31 =	sadd.s32 s5, s28;
	[sflag:s8] =	ssyncadd.s32 $0xFFFFC000;
	(pc) =	sbr.rel @p0 .LBB2_2-.Ltmp2, $4  }
0x39b: {  	[hbm4b:s31+s2] =	stream.linear.scatter [tilespmem:s12], [sflag:$0x1], $0x4000, $0x38;
	[tilespmem:$0x14000] =	vst v63  }
0x39c: {  	_ =	swait.ge [sflag:s8], $0x4000  }
0x39d: {  	[sflag:s8] =	ssyncset.done $0x0  }
0x39e: {  	v1 =	vimm.f32 $0.0e+00;
	v0 =	vlaneseq.u32;
	[sflag:s8] =	ssyncadd.s32 $0xFFFFC000  }
0x39f: {  	s13 =	sadd.s32 $0x1, s13  }
0x3a0: {  	p0 =	sne.s32 s13, s7  }
.Ltmp3:
0x3a1: {  	_ = 	snop;
	(pc) =	sbr.rel @p0 .LBB2_1-.Ltmp3, $1  }
0x3a2: {  	_ =	sdelay $0x3  }
0x3a3: {  	_ =	sfence.sel $0x180000  }
0x3a4: {  	[bflag:$0x0] =	sbarrier.arrive $0xFFFF  }
0x3a5: {  	p0 =	sne.s32 s3, $0x0;
	_ =	strace $0x90000047  }
0x3a6: {  	s0 =	sadd.s32 @!p0 $0x100000, s0;
	[bflag:$0x2] =	sbarrier.arrive $0xFFFF  }
0x3a7: {  	[sflag:s0] =	ssyncadd.tile.s32 @!p0 $0x1;
	_ =	shalt  }
.Lfunc_end2:
_tile_overlayer_lowered:
.L_overlay_start_2:
0x3a8: {  	(tag) =	ssettag $0x2  }
0x3a9: {  	s0 =	rddreg [dreg:$0x0];
	s2 =	stileid.u32  }
0x3aa: {  	s1 =	rddreg [dreg:$0x1];
	p0 =	sne.s32 s2, $0x0  }
0x3ab: {  	s3 =	rddreg [dreg:$0x2];
	[bflag:$0x3] =	sbarrier.arrive $0xFFFF;
	s2 =	simm.s32 @!p0 $0x1C01  }
0x3ac: {  	[timem:s3], [sflag:s2] =	dma.local @!p0 [hbm:s0], s1  }
0x3ad: {  	s0 =	simm.s32 @!p0 $0x1  }
0x3ae: {  	_ =	swait.ge @!p0 [sflag:s0], s1  }
0x3af: {  	s1 =	ssub.s32 @!p0 $0x0, s1;
	[sflag:s0] =	ssyncset.done @!p0 $0x0  }
0x3b0: {  	[sflag:s0] =	ssyncadd.s32 @!p0 s1  }
0x3b1: {  	[bflag:$0x3] =	sbarrier.arrive $0xFFFF  }
0x3b2: {  	_ =	shalt  }

</sc_bundles>
